<compile_context>
chip_gen: v7x
topology: tpu7x:2x2x1
jax: 0.10.2.dev20260603
libtpu: 0.0.44.dev20260713+nightly
codegen_flags: <defaults>
</compile_context>

<pallas_src>
import functools

import jax
import jax.numpy as jnp
from jax import lax
from jax.experimental import pallas as pl
from jax.experimental.pallas import tpu as pltpu
from jax.experimental.pallas import tpu_sc as plsc

N = 10000
E = 320000
D = 128
NC, NS, L = 2, 16, 16
NP = 10240
NPR = NP // 128
EP = 323584
EPS = EP // NS
CH = 64
NCHS = EPS // CH
CPB = 4
NB = NCHS // CPB
RPT = NP // NS
RB = 640

def _deg_body(dst_hbm, z_hbm, out_hbm, dst_v, acc_v):
    b = lax.axis_index("c")
    sid = lax.axis_index("s")
    pltpu.sync_copy(dst_hbm.at[b, sid], dst_v)
    pltpu.sync_copy(z_hbm, acc_v)
    ones = jnp.full((L,), 1.0, jnp.float32)

    def body(i, carry):
        idx = dst_v[pl.ds(i * L, L)]
        plsc.addupdate_scatter(acc_v, [idx], ones)
        return carry

    lax.fori_loop(0, EPS // L, body, 0)
    pltpu.sync_copy(acc_v, out_hbm.at[b, sid])


def _svec_body(src_hbm, dst_hbm, dinv_hbm, z_hbm, out_hbm,
               src_v, dst_v, dinv_v, acc_v):
    b = lax.axis_index("c")
    sid = lax.axis_index("s")
    pltpu.sync_copy(src_hbm.at[b, sid], src_v)
    pltpu.sync_copy(dst_hbm.at[b, sid], dst_v)
    pltpu.sync_copy(dinv_hbm.at[b], dinv_v)
    pltpu.sync_copy(z_hbm, acc_v)

    def body(i, carry):
        sl = pl.ds(i * L, L)
        vals = plsc.load_gather(dinv_v, [dst_v[sl]])
        plsc.addupdate_scatter(acc_v, [src_v[sl]], vals)
        return carry

    lax.fori_loop(0, EPS // L, body, 0)
    pltpu.sync_copy(acc_v, out_hbm.at[b, sid])


def _spmm_body(tab_hbm, idx_hbm, out_hbm, idx_v, *rest):
    b = lax.axis_index("c")
    sid = lax.axis_index("s")
    bufs = rest[:CPB]
    acc_sh = rest[CPB]
    gsem = rest[CPB + 1:2 * CPB + 1]
    ssem = rest[2 * CPB + 1:3 * CPB + 1]
    isem = rest[3 * CPB + 1]
    pltpu.sync_copy(tab_hbm.at[pl.ds(b * NP + sid * RPT, RPT)],
                    acc_sh.at[pl.ds(sid * RPT, RPT)])
    plsc.subcore_barrier()

    pltpu.sync_copy(idx_hbm.at[b, sid, 0], idx_v.at[0])

    def body(i, carry):
        p = lax.rem(i, 2)

        @pl.when(i > 0)
        def _():
            pltpu.make_async_copy(idx_hbm.at[b, sid, i], idx_v.at[p],
                                  isem).wait()

        cps = []
        for j in range(CPB):
            cps.append(
                pltpu.async_copy(tab_hbm.at[idx_v.at[p, j]], bufs[j], gsem[j]))

        @pl.when(i + 1 < NB)
        def _():
            pltpu.async_copy(idx_hbm.at[b, sid, i + 1], idx_v.at[1 - p], isem)

        scs = []
        for j in range(CPB):
            cps[j].wait()
            scs.append(
                pltpu.async_copy(bufs[j], acc_sh.at[idx_v.at[p, CPB + j]],
                                 ssem[j], add=True))
        for j in range(CPB):
            scs[j].wait()
        return carry

    lax.fori_loop(0, NB, body, 0)
    plsc.subcore_barrier()
    pltpu.sync_copy(acc_sh.at[pl.ds(sid * RPT, RPT)],
                    out_hbm.at[b, pl.ds(sid * RPT, RPT)])


@functools.cache
def _sc_kernels():
    mesh = plsc.VectorSubcoreMesh(core_axis_name="c", subcore_axis_name="s",
                                  num_cores=NC, num_subcores=NS)
    deg = pl.kernel(
        _deg_body,
        out_type=jax.ShapeDtypeStruct((2, NS, NP), jnp.float32),
        mesh=mesh,
        scratch_types=[
            pltpu.VMEM((EPS,), jnp.int32),
            pltpu.VMEM((NP,), jnp.float32),
        ],
        compiler_params=pltpu.CompilerParams(needs_layout_passes=False),
    )
    svec = pl.kernel(
        _svec_body,
        out_type=jax.ShapeDtypeStruct((2, NS, NP), jnp.float32),
        mesh=mesh,
        scratch_types=[
            pltpu.VMEM((EPS,), jnp.int32),
            pltpu.VMEM((EPS,), jnp.int32),
            pltpu.VMEM((NP,), jnp.float32),
            pltpu.VMEM((NP,), jnp.float32),
        ],
        compiler_params=pltpu.CompilerParams(needs_layout_passes=False),
    )
    spmm = pl.kernel(
        _spmm_body,
        out_type=jax.ShapeDtypeStruct((2, NP, D), jnp.float32),
        mesh=mesh,
        scratch_types=(
            [pltpu.VMEM((2, 2 * CPB, CH), jnp.int32)]
            + [pltpu.VMEM((CH, D), jnp.float32)] * CPB
            + [pltpu.VMEM_SHARED((NP, D), jnp.float32)]
            + [pltpu.SemaphoreType.DMA] * (2 * CPB + 1)
        ),
        compiler_params=pltpu.CompilerParams(needs_layout_passes=False),
    )
    return deg, svec, spmm


def _mm_body(x_ref, w_ref, o_ref):
    o_ref[...] = jnp.dot(x_ref[0], w_ref[...],
                         preferred_element_type=jnp.float32)[None]


def _matmul(x, w):
    return pl.pallas_call(
        _mm_body,
        grid=(2, NP // RB),
        in_specs=[
            pl.BlockSpec((1, RB, D), lambda b, r: (b, r, 0)),
            pl.BlockSpec((D, D), lambda b, r: (0, 0)),
        ],
        out_specs=pl.BlockSpec((1, RB, D), lambda b, r: (b, r, 0)),
        out_shape=jax.ShapeDtypeStruct((2, NP, D), jnp.float32),
    )(x, w)


def _psum_body(p_ref, o_ref, *, to_dinv):
    @pl.when(pl.program_id(0) == 0)
    def _():
        o_ref[...] = jnp.zeros_like(o_ref)

    o_ref[...] += jnp.sum(p_ref[...], axis=1)
    if to_dinv:
        @pl.when(pl.program_id(0) == NS // 8 - 1)
        def _():
            o_ref[...] = lax.rsqrt(o_ref[...] + 1.0)


def _psum(p, to_dinv):
    return pl.pallas_call(
        functools.partial(_psum_body, to_dinv=to_dinv),
        grid=(NS // 8,),
        in_specs=[pl.BlockSpec((2, 8, NP), lambda k: (0, k, 0))],
        out_specs=pl.BlockSpec((2, NP), lambda k: (0, 0)),
        out_shape=jax.ShapeDtypeStruct((2, NP), jnp.float32),
    )(p)


def _reduce_body(g_ref, o_ref):
    @pl.when(pl.program_id(0) == 0)
    def _():
        o_ref[...] = jnp.zeros_like(o_ref)

    o_ref[...] += jnp.sum(g_ref[...], axis=1)


def _colsum(g):
    return pl.pallas_call(
        _reduce_body,
        grid=(NP // RB,),
        in_specs=[pl.BlockSpec((2, RB, D), lambda r: (0, r, 0))],
        out_specs=pl.BlockSpec((2, D), lambda r: (0, 0)),
        out_shape=jax.ShapeDtypeStruct((2, D), jnp.float32),
    )(g)


def _epilogue_body(v_ref, w2_ref, b2_ref, wf1_ref, bf1_ref, wf2_ref, bf2_ref,
                   o_ref):
    u = jnp.dot(v_ref[...] * (1.0 / N), w2_ref[...],
                preferred_element_type=jnp.float32) + b2_ref[...]
    h = jnp.dot(u[0:1], wf1_ref[0:D, :], preferred_element_type=jnp.float32)
    h = h + jnp.dot(u[1:2], wf1_ref[D:2 * D, :],
                    preferred_element_type=jnp.float32)
    h = jnp.maximum(h + bf1_ref[...], 0.0)
    s = jnp.dot(h, wf2_ref[...], preferred_element_type=jnp.float32)
    s = s + bf2_ref[...]
    o_ref[...] = 1.0 / (1.0 + jnp.exp(-s))


def _epilogue(v, w2, b2, wf1, bf1, wf2, bf2):
    return pl.pallas_call(
        _epilogue_body,
        out_shape=jax.ShapeDtypeStruct((1, 1), jnp.float32),
    )(v, w2, b2.reshape(1, D), wf1, bf1.reshape(1, D), wf2,
      bf2.reshape(1, 1))


def _pad_edges(ei):
    src = ei[0]
    dst = ei[1]
    pad = jnp.full((EP - E,), N, dtype=jnp.int32)
    return (jnp.concatenate([src, pad]), jnp.concatenate([dst, pad]))


def kernel(x1, edge_index1, x2, edge_index2,
           W0, b0, W1, b1, W2, b2, Wf1, bf1, Wf2, bf2):
    f32 = jnp.float32
    src1, dst1 = _pad_edges(edge_index1)
    src2, dst2 = _pad_edges(edge_index2)
    src = jnp.stack([src1, src2]).reshape(2, NS, EPS)
    dst = jnp.stack([dst1, dst2]).reshape(2, NS, EPS)
    src_off = jnp.stack([src1, src2 + NP]).reshape(2, NS, NB, CPB, CH)
    dst_ch = dst.reshape(2, NS, NB, CPB, CH)
    idxc = jnp.concatenate([src_off, dst_ch], axis=3)

    znp = jnp.zeros((NP,), f32)
    _deg_kernel, _svec_kernel, _spmm_kernel = _sc_kernels()

    dinv = _psum(_deg_kernel(dst, znp), to_dinv=True)
    svec = _psum(_svec_kernel(src, dst, dinv, znp), to_dinv=False)
    node_mask = (jnp.arange(NP) < N)[None, :]
    c = jnp.where(node_mask, dinv * (svec + dinv), 0.0)

    X = jnp.zeros((2, NP, D), f32).at[:, :N, :].set(jnp.stack([x1, x2]))
    dcol = dinv[:, :, None]

    t0 = dcol * _matmul(X, W0)
    z0 = _spmm_kernel(t0.reshape(2 * NP, D), idxc)
    h1 = jnp.maximum(dcol * z0 + b0[None, None, :], 0.0)

    t1 = dcol * _matmul(h1, W1)
    z1 = _spmm_kernel(t1.reshape(2 * NP, D), idxc)
    h2 = jnp.maximum(dcol * z1 + b1[None, None, :], 0.0)

    v = _colsum(c[:, :, None] * h2)
    return _epilogue(v, W2, b2, Wf1, bf1, Wf2, bf2)

# --- scband reference (transcript-rebuilt; emitter-appended) ---
"""Pipeline reference for scband-basic-gnn-21105469293031 (READ-ONLY COPY).

The authoritative reference and input builder live on the scoring server;
editing this copy changes nothing except your own understanding.
"""

import jax, jax.numpy as jnp
import numpy as np

N = 10000
E = 320000
D = 128
H = 128

def setup_inputs(seed: int = 0):
    key = jax.random.key(seed)
    ks = jax.random.split(key, 12)
    x1 = jax.random.normal(ks[0], (N, D), dtype=jnp.float32)
    x2 = jax.random.normal(ks[1], (N, D), dtype=jnp.float32)
    edge_index1 = jax.random.randint(ks[2], (2, E), 0, N, dtype=jnp.int32)
    edge_index2 = jax.random.randint(ks[3], (2, E), 0, N, dtype=jnp.int32)
    W0 = jax.random.normal(ks[4], (D, H), dtype=jnp.float32) * 0.05
    b0 = jnp.zeros((H,), dtype=jnp.float32)
    W1 = jax.random.normal(ks[5], (H, H), dtype=jnp.float32) * 0.05
    b1 = jnp.zeros((H,), dtype=jnp.float32)
    W2 = jax.random.normal(ks[6], (H, H), dtype=jnp.float32) * 0.05
    b2 = jnp.zeros((H,), dtype=jnp.float32)
    Wf1 = jax.random.normal(ks[7], (2 * H, H), dtype=jnp.float32) * 0.05
    bf1 = jnp.zeros((H,), dtype=jnp.float32)
    Wf2 = jax.random.normal(ks[8], (H, 1), dtype=jnp.float32) * 0.05
    bf2 = jnp.zeros((1,), dtype=jnp.float32)
    return {"x1": x1, "edge_index1": edge_index1, "x2": x2, "edge_index2": edge_index2,
            "W0": W0, "b0": b0, "W1": W1, "b1": b1, "W2": W2, "b2": b2,
            "Wf1": Wf1, "bf1": bf1, "Wf2": Wf2, "bf2": bf2}

def _gcn_branch(x, edge_index, Ws, bs):
    src = edge_index[0]
    dst = edge_index[1]
    loop = jnp.arange(N, dtype=src.dtype)
    src_f = jnp.concatenate([src, loop])
    dst_f = jnp.concatenate([dst, loop])
    deg = jax.ops.segment_sum(jnp.ones(src_f.shape[0], dtype=jnp.float32), dst_f, num_segments=N)
    dinv = 1.0 / jnp.sqrt(jnp.maximum(deg, 1.0))
    norm = dinv[src_f] * dinv[dst_f]
    h = x
    n_layers = len(Ws)
    for i in range(n_layers):
        h = h @ Ws[i]
        msg = h[src_f] * norm[:, None]
        h = jax.ops.segment_sum(msg, dst_f, num_segments=N) + bs[i]
        if i < n_layers - 1:
            h = jax.nn.relu(h)
    return jnp.mean(h, axis=0).reshape(1, -1)

def reference(x1, edge_index1, x2, edge_index2, W0, b0, W1, b1, W2, b2, Wf1, bf1, Wf2, bf2):
    Ws = [W0, W1, W2]
    bs = [b0, b1, b2]
    u1 = _gcn_branch(x1, edge_index1, Ws, bs)
    u2 = _gcn_branch(x2, edge_index2, Ws, bs)
    z = jnp.concatenate([u1, u2], axis=1)
    h = jax.nn.relu(z @ Wf1 + bf1)
    score = jax.nn.sigmoid(h @ Wf2 + bf2)
    return score

if __name__ == "__main__":
    import jax
    _d = setup_inputs()
    print(jax.jit(kernel)(*tuple(_d.values())))

</pallas_src>

<mosaic_0001>
#map = affine_map<(d0, d1) -> (0, 0)>
#map1 = affine_map<(d0, d1) -> (0, 0, 0, 0, 0)>
#map2 = affine_map<(d0, d1) -> (0, 0, 0)>
module attributes {stable_mosaic.version = 14 : i64} {
  func.func @_spmm_body(%arg0: i32, %arg1: i32, %arg2: memref<20480x128xf32, #tpu.memory_space<hbm>>, %arg3: memref<2x16x79x8x64xi32, #tpu.memory_space<hbm>>, %arg4: memref<2x10240x128xf32, #tpu.memory_space<hbm>>, %arg5: memref<2x8x64xi32, #tpu.memory_space<vmem>>, %arg6: memref<64x128xf32, #tpu.memory_space<vmem>>, %arg7: memref<64x128xf32, #tpu.memory_space<vmem>>, %arg8: memref<64x128xf32, #tpu.memory_space<vmem>>, %arg9: memref<64x128xf32, #tpu.memory_space<vmem>>, %arg10: memref<10240x128xf32, #tpu.memory_space<vmem_shared>>, %arg11: memref<!tpu.dma_semaphore, #tpu.memory_space<semaphore_mem>>, %arg12: memref<!tpu.dma_semaphore, #tpu.memory_space<semaphore_mem>>, %arg13: memref<!tpu.dma_semaphore, #tpu.memory_space<semaphore_mem>>, %arg14: memref<!tpu.dma_semaphore, #tpu.memory_space<semaphore_mem>>, %arg15: memref<!tpu.dma_semaphore, #tpu.memory_space<semaphore_mem>>, %arg16: memref<!tpu.dma_semaphore, #tpu.memory_space<semaphore_mem>>, %arg17: memref<!tpu.dma_semaphore, #tpu.memory_space<semaphore_mem>>, %arg18: memref<!tpu.dma_semaphore, #tpu.memory_space<semaphore_mem>>, %arg19: memref<!tpu.dma_semaphore, #tpu.memory_space<semaphore_mem>>) attributes {dimension_semantics = [#tpu.dimension_semantics<core_parallel>, #tpu.dimension_semantics<subcore_parallel>], iteration_bounds = array<i64: 2, 16>, scalar_prefetch = 0 : i64, scratch_operands = 15 : i64, tpu.core_type = #tpu.core_type<sc_vector_subcore>, window_params = [{transform_indices = #map}, {transform_indices = #map1}, {transform_indices = #map2}]} {
    %mul3A = arith.constant 10240 : i32
    %mul3A_0 = arith.muli %arg0, %mul3A : i32
    %mul3A_1 = arith.constant 640 : i32
    %mul3A_2 = arith.muli %arg1, %mul3A_1 : i32
    %add3A = arith.addi %mul3A_0, %mul3A_2 : i32
    %mul3A_3 = arith.constant 640 : i32
    %mul3A_4 = arith.muli %arg1, %mul3A_3 : i32
    "tpu.region"() ({
      %run_scoped3A_16 = tpu.sem_alloc : memref<!tpu.dma_semaphore, #tpu.memory_space<semaphore_mem>>
      %dma_start3A = arith.constant 0 : i32
      %dma_start3A_17 = tpu.memref_slice %arg10[%mul3A_4, %dma_start3A] : memref<10240x128xf32, #tpu.memory_space<vmem_shared>> -> memref<640x128xf32, #tpu.memory_space<vmem_shared>>
      %dma_start3A_18 = arith.constant 0 : i32
      %dma_start3A_19 = tpu.memref_slice %arg2[%add3A, %dma_start3A_18] : memref<20480x128xf32, #tpu.memory_space<hbm>> -> memref<640x128xf32, #tpu.memory_space<hbm>>
      tpu.enqueue_dma source(%dma_start3A_19 : memref<640x128xf32, #tpu.memory_space<hbm>>) target(%dma_start3A_17 : memref<640x128xf32, #tpu.memory_space<vmem_shared>>) target_semaphore(%run_scoped3A_16 : memref<!tpu.dma_semaphore, #tpu.memory_space<semaphore_mem>>)
      %dma_wait3A = arith.constant 0 : i32
      %dma_wait3A_20 = tpu.memref_slice %arg10[%mul3A_4, %dma_wait3A] : memref<10240x128xf32, #tpu.memory_space<vmem_shared>> -> memref<640x128xf32, #tpu.memory_space<vmem_shared>>
      %dma_wait3A_21 = arith.constant 0 : i32
      %dma_wait3A_22 = tpu.memref_slice %arg2[%add3A, %dma_wait3A_21] : memref<20480x128xf32, #tpu.memory_space<hbm>> -> memref<640x128xf32, #tpu.memory_space<hbm>>
      tpu.wait_dma2 semaphore(%run_scoped3A_16 : memref<!tpu.dma_semaphore, #tpu.memory_space<semaphore_mem>>) src(%dma_wait3A_22 : memref<640x128xf32, #tpu.memory_space<hbm>>) dst(%dma_wait3A_20 : memref<640x128xf32, #tpu.memory_space<vmem_shared>>)
      tpu.yield
    }) : () -> ()
    %barrier3A = arith.constant 0 : index
    tpu.barrier barrier_id(%barrier3A)
    %run_scoped3A = arith.constant 0 : i32
    %run_scoped3A_5 = arith.constant 0 : i32
    "tpu.region"() ({
      %run_scoped3A_16 = tpu.sem_alloc : memref<!tpu.dma_semaphore, #tpu.memory_space<semaphore_mem>>
      %dma_start3A = arith.constant 0 : i32
      %dma_start3A_17 = arith.constant 0 : i32
      %dma_start3A_18 = tpu.memref_slice %arg5[%run_scoped3A_5, %dma_start3A, %dma_start3A_17] : memref<2x8x64xi32, #tpu.memory_space<vmem>> -> memref<1x8x64xi32, #tpu.memory_space<vmem>>
      %dma_start3A_19 = tpu.memref_squeeze %dma_start3A_18 : memref<1x8x64xi32, #tpu.memory_space<vmem>> -> memref<8x64xi32, #tpu.memory_space<vmem>>
      %dma_start3A_20 = arith.constant 0 : i32
      %dma_start3A_21 = arith.constant 0 : i32
      %dma_start3A_22 = tpu.memref_slice %arg3[%arg0, %arg1, %run_scoped3A, %dma_start3A_20, %dma_start3A_21] : memref<2x16x79x8x64xi32, #tpu.memory_space<hbm>> -> memref<1x1x1x8x64xi32, #tpu.memory_space<hbm>>
      %dma_start3A_23 = tpu.memref_squeeze %dma_start3A_22 : memref<1x1x1x8x64xi32, #tpu.memory_space<hbm>> -> memref<8x64xi32, #tpu.memory_space<hbm>>
      %dma_start3A_24 = arith.constant 0 : i32
      %dma_start3A_25 = arith.constant 0 : i32
      %dma_start3A_26 = tpu.memref_slice %arg5[%run_scoped3A_5, %dma_start3A_24, %dma_start3A_25] : memref<2x8x64xi32, #tpu.memory_space<vmem>> -> memref<1x8x64xi32, #tpu.memory_space<vmem>>
      %dma_start3A_27 = tpu.memref_squeeze %dma_start3A_26 : memref<1x8x64xi32, #tpu.memory_space<vmem>> -> memref<8x64xi32, #tpu.memory_space<vmem>>
      %dma_start3A_28 = arith.constant 0 : i32
      %dma_start3A_29 = arith.constant 0 : i32
      %dma_start3A_30 = tpu.memref_slice %arg3[%arg0, %arg1, %run_scoped3A, %dma_start3A_28, %dma_start3A_29] : memref<2x16x79x8x64xi32, #tpu.memory_space<hbm>> -> memref<1x1x1x8x64xi32, #tpu.memory_space<hbm>>
      %dma_start3A_31 = tpu.memref_squeeze %dma_start3A_30 : memref<1x1x1x8x64xi32, #tpu.memory_space<hbm>> -> memref<8x64xi32, #tpu.memory_space<hbm>>
      tpu.enqueue_dma source(%dma_start3A_31 : memref<8x64xi32, #tpu.memory_space<hbm>>) target(%dma_start3A_27 : memref<8x64xi32, #tpu.memory_space<vmem>>) target_semaphore(%run_scoped3A_16 : memref<!tpu.dma_semaphore, #tpu.memory_space<semaphore_mem>>)
      %dma_wait3A = arith.constant 0 : i32
      %dma_wait3A_32 = arith.constant 0 : i32
      %dma_wait3A_33 = tpu.memref_slice %arg5[%run_scoped3A_5, %dma_wait3A, %dma_wait3A_32] : memref<2x8x64xi32, #tpu.memory_space<vmem>> -> memref<1x8x64xi32, #tpu.memory_space<vmem>>
      %dma_wait3A_34 = tpu.memref_squeeze %dma_wait3A_33 : memref<1x8x64xi32, #tpu.memory_space<vmem>> -> memref<8x64xi32, #tpu.memory_space<vmem>>
      %dma_wait3A_35 = arith.constant 0 : i32
      %dma_wait3A_36 = arith.constant 0 : i32
      %dma_wait3A_37 = tpu.memref_slice %arg3[%arg0, %arg1, %run_scoped3A, %dma_wait3A_35, %dma_wait3A_36] : memref<2x16x79x8x64xi32, #tpu.memory_space<hbm>> -> memref<1x1x1x8x64xi32, #tpu.memory_space<hbm>>
      %dma_wait3A_38 = tpu.memref_squeeze %dma_wait3A_37 : memref<1x1x1x8x64xi32, #tpu.memory_space<hbm>> -> memref<8x64xi32, #tpu.memory_space<hbm>>
      %dma_wait3A_39 = arith.constant 0 : i32
      %dma_wait3A_40 = arith.constant 0 : i32
      %dma_wait3A_41 = tpu.memref_slice %arg5[%run_scoped3A_5, %dma_wait3A_39, %dma_wait3A_40] : memref<2x8x64xi32, #tpu.memory_space<vmem>> -> memref<1x8x64xi32, #tpu.memory_space<vmem>>
      %dma_wait3A_42 = tpu.memref_squeeze %dma_wait3A_41 : memref<1x8x64xi32, #tpu.memory_space<vmem>> -> memref<8x64xi32, #tpu.memory_space<vmem>>
      %dma_wait3A_43 = arith.constant 0 : i32
      %dma_wait3A_44 = arith.constant 0 : i32
      %dma_wait3A_45 = tpu.memref_slice %arg3[%arg0, %arg1, %run_scoped3A, %dma_wait3A_43, %dma_wait3A_44] : memref<2x16x79x8x64xi32, #tpu.memory_space<hbm>> -> memref<1x1x1x8x64xi32, #tpu.memory_space<hbm>>
      %dma_wait3A_46 = tpu.memref_squeeze %dma_wait3A_45 : memref<1x1x1x8x64xi32, #tpu.memory_space<hbm>> -> memref<8x64xi32, #tpu.memory_space<hbm>>
      tpu.wait_dma2 semaphore(%run_scoped3A_16 : memref<!tpu.dma_semaphore, #tpu.memory_space<semaphore_mem>>) src(%dma_wait3A_46 : memref<8x64xi32, #tpu.memory_space<hbm>>) dst(%dma_wait3A_42 : memref<8x64xi32, #tpu.memory_space<vmem>>)
      tpu.yield
    }) : () -> ()
    %scan3A = arith.constant 0 : i32
    %scan3A_6 = arith.constant 0 : i32
    %scan3A_7 = arith.constant 79 : i32
    %scan3A_8 = arith.addi %scan3A_6, %scan3A_7 : i32
    %scan3A_9 = arith.constant 1 : i32
    scf.for %scan3A_16 = %scan3A_6 to %scan3A_8 step %scan3A_9  : i32 {
      %rem3A = arith.constant 2 : i32
      %rem3A_17 = arith.remsi %scan3A_16, %rem3A : i32
      %gt3A = arith.constant 0 : i32
      %gt3A_18 = arith.cmpi sgt, %scan3A_16, %gt3A : i32
      %convert_element_type3A = arith.extui %gt3A_18 : i1 to i32
      %cond3A = arith.constant 0 : i32
      %cond3A_19 = arith.cmpi ne, %convert_element_type3A, %cond3A : i32
      scf.if %cond3A_19 {
        %dma_wait3A_136 = arith.constant 0 : i32
        %dma_wait3A_137 = arith.constant 0 : i32
        %dma_wait3A_138 = tpu.memref_slice %arg5[%rem3A_17, %dma_wait3A_136, %dma_wait3A_137] : memref<2x8x64xi32, #tpu.memory_space<vmem>> -> memref<1x8x64xi32, #tpu.memory_space<vmem>>
        %dma_wait3A_139 = tpu.memref_squeeze %dma_wait3A_138 : memref<1x8x64xi32, #tpu.memory_space<vmem>> -> memref<8x64xi32, #tpu.memory_space<vmem>>
        %dma_wait3A_140 = arith.constant 0 : i32
        %dma_wait3A_141 = arith.constant 0 : i32
        %dma_wait3A_142 = tpu.memref_slice %arg3[%arg0, %arg1, %scan3A_16, %dma_wait3A_140, %dma_wait3A_141] : memref<2x16x79x8x64xi32, #tpu.memory_space<hbm>> -> memref<1x1x1x8x64xi32, #tpu.memory_space<hbm>>
        %dma_wait3A_143 = tpu.memref_squeeze %dma_wait3A_142 : memref<1x1x1x8x64xi32, #tpu.memory_space<hbm>> -> memref<8x64xi32, #tpu.memory_space<hbm>>
        %dma_wait3A_144 = arith.constant 0 : i32
        %dma_wait3A_145 = arith.constant 0 : i32
        %dma_wait3A_146 = tpu.memref_slice %arg5[%rem3A_17, %dma_wait3A_144, %dma_wait3A_145] : memref<2x8x64xi32, #tpu.memory_space<vmem>> -> memref<1x8x64xi32, #tpu.memory_space<vmem>>
        %dma_wait3A_147 = tpu.memref_squeeze %dma_wait3A_146 : memref<1x8x64xi32, #tpu.memory_space<vmem>> -> memref<8x64xi32, #tpu.memory_space<vmem>>
        %dma_wait3A_148 = arith.constant 0 : i32
        %dma_wait3A_149 = arith.constant 0 : i32
        %dma_wait3A_150 = tpu.memref_slice %arg3[%arg0, %arg1, %scan3A_16, %dma_wait3A_148, %dma_wait3A_149] : memref<2x16x79x8x64xi32, #tpu.memory_space<hbm>> -> memref<1x1x1x8x64xi32, #tpu.memory_space<hbm>>
        %dma_wait3A_151 = tpu.memref_squeeze %dma_wait3A_150 : memref<1x1x1x8x64xi32, #tpu.memory_space<hbm>> -> memref<8x64xi32, #tpu.memory_space<hbm>>
        tpu.wait_dma2 semaphore(%arg19 : memref<!tpu.dma_semaphore, #tpu.memory_space<semaphore_mem>>) src(%dma_wait3A_151 : memref<8x64xi32, #tpu.memory_space<hbm>>) dst(%dma_wait3A_147 : memref<8x64xi32, #tpu.memory_space<vmem>>)
      } else {
      }
      %dma_start3A = arith.constant 0 : i32
      %dma_start3A_20 = arith.constant 0 : i32
      %dma_start3A_21 = tpu.memref_slice %arg5[%rem3A_17, %dma_start3A, %dma_start3A_20] : memref<2x8x64xi32, #tpu.memory_space<vmem>> -> memref<1x1x64xi32, #tpu.memory_space<vmem>>
      %dma_start3A_22 = tpu.memref_squeeze %dma_start3A_21 : memref<1x1x64xi32, #tpu.memory_space<vmem>> -> memref<64xi32, #tpu.memory_space<vmem>>
      %dma_start3A_23 = arith.constant 0 : i32
      %dma_start3A_24 = arith.constant 0 : i32
      %dma_start3A_25 = tpu.memref_slice %arg2[%dma_start3A_23, %dma_start3A_24] : memref<20480x128xf32, #tpu.memory_space<hbm>> -> memref<20480x128xf32, #tpu.memory_space<hbm>>
      tpu.enqueue_indirect_dma source(%dma_start3A_25 : memref<20480x128xf32, #tpu.memory_space<hbm>>) target(%arg6 : memref<64x128xf32, #tpu.memory_space<vmem>>) offsets(%dma_start3A_22 : memref<64xi32, #tpu.memory_space<vmem>>) semaphore(%arg11 : memref<!tpu.dma_semaphore, #tpu.memory_space<semaphore_mem>>)
      %dma_start3A_26 = arith.constant 1 : i32
      %dma_start3A_27 = arith.constant 0 : i32
      %dma_start3A_28 = tpu.memref_slice %arg5[%rem3A_17, %dma_start3A_26, %dma_start3A_27] : memref<2x8x64xi32, #tpu.memory_space<vmem>> -> memref<1x1x64xi32, #tpu.memory_space<vmem>>
      %dma_start3A_29 = tpu.memref_squeeze %dma_start3A_28 : memref<1x1x64xi32, #tpu.memory_space<vmem>> -> memref<64xi32, #tpu.memory_space<vmem>>
      %dma_start3A_30 = arith.constant 0 : i32
      %dma_start3A_31 = arith.constant 0 : i32
      %dma_start3A_32 = tpu.memref_slice %arg2[%dma_start3A_30, %dma_start3A_31] : memref<20480x128xf32, #tpu.memory_space<hbm>> -> memref<20480x128xf32, #tpu.memory_space<hbm>>
      tpu.enqueue_indirect_dma source(%dma_start3A_32 : memref<20480x128xf32, #tpu.memory_space<hbm>>) target(%arg7 : memref<64x128xf32, #tpu.memory_space<vmem>>) offsets(%dma_start3A_29 : memref<64xi32, #tpu.memory_space<vmem>>) semaphore(%arg12 : memref<!tpu.dma_semaphore, #tpu.memory_space<semaphore_mem>>)
      %dma_start3A_33 = arith.constant 2 : i32
      %dma_start3A_34 = arith.constant 0 : i32
      %dma_start3A_35 = tpu.memref_slice %arg5[%rem3A_17, %dma_start3A_33, %dma_start3A_34] : memref<2x8x64xi32, #tpu.memory_space<vmem>> -> memref<1x1x64xi32, #tpu.memory_space<vmem>>
      %dma_start3A_36 = tpu.memref_squeeze %dma_start3A_35 : memref<1x1x64xi32, #tpu.memory_space<vmem>> -> memref<64xi32, #tpu.memory_space<vmem>>
      %dma_start3A_37 = arith.constant 0 : i32
      %dma_start3A_38 = arith.constant 0 : i32
      %dma_start3A_39 = tpu.memref_slice %arg2[%dma_start3A_37, %dma_start3A_38] : memref<20480x128xf32, #tpu.memory_space<hbm>> -> memref<20480x128xf32, #tpu.memory_space<hbm>>
      tpu.enqueue_indirect_dma source(%dma_start3A_39 : memref<20480x128xf32, #tpu.memory_space<hbm>>) target(%arg8 : memref<64x128xf32, #tpu.memory_space<vmem>>) offsets(%dma_start3A_36 : memref<64xi32, #tpu.memory_space<vmem>>) semaphore(%arg13 : memref<!tpu.dma_semaphore, #tpu.memory_space<semaphore_mem>>)
      %dma_start3A_40 = arith.constant 3 : i32
      %dma_start3A_41 = arith.constant 0 : i32
      %dma_start3A_42 = tpu.memref_slice %arg5[%rem3A_17, %dma_start3A_40, %dma_start3A_41] : memref<2x8x64xi32, #tpu.memory_space<vmem>> -> memref<1x1x64xi32, #tpu.memory_space<vmem>>
      %dma_start3A_43 = tpu.memref_squeeze %dma_start3A_42 : memref<1x1x64xi32, #tpu.memory_space<vmem>> -> memref<64xi32, #tpu.memory_space<vmem>>
      %dma_start3A_44 = arith.constant 0 : i32
      %dma_start3A_45 = arith.constant 0 : i32
      %dma_start3A_46 = tpu.memref_slice %arg2[%dma_start3A_44, %dma_start3A_45] : memref<20480x128xf32, #tpu.memory_space<hbm>> -> memref<20480x128xf32, #tpu.memory_space<hbm>>
      tpu.enqueue_indirect_dma source(%dma_start3A_46 : memref<20480x128xf32, #tpu.memory_space<hbm>>) target(%arg9 : memref<64x128xf32, #tpu.memory_space<vmem>>) offsets(%dma_start3A_43 : memref<64xi32, #tpu.memory_space<vmem>>) semaphore(%arg14 : memref<!tpu.dma_semaphore, #tpu.memory_space<semaphore_mem>>)
      %add3A_47 = arith.constant 1 : i32
      %add3A_48 = arith.addi %scan3A_16, %add3A_47 : i32
      %lt3A = arith.constant 79 : i32
      %lt3A_49 = arith.cmpi slt, %add3A_48, %lt3A : i32
      %convert_element_type3A_50 = arith.extui %lt3A_49 : i1 to i32
      %cond3A_51 = arith.constant 0 : i32
      %cond3A_52 = arith.cmpi ne, %convert_element_type3A_50, %cond3A_51 : i32
      scf.if %cond3A_52 {
        %add3A_136 = arith.constant 1 : i32
        %add3A_137 = arith.addi %scan3A_16, %add3A_136 : i32
        %sub3A = arith.constant 1 : i32
        %sub3A_138 = arith.subi %sub3A, %rem3A_17 : i32
        %dma_start3A_139 = arith.constant 0 : i32
        %dma_start3A_140 = arith.constant 0 : i32
        %dma_start3A_141 = tpu.memref_slice %arg5[%sub3A_138, %dma_start3A_139, %dma_start3A_140] : memref<2x8x64xi32, #tpu.memory_space<vmem>> -> memref<1x8x64xi32, #tpu.memory_space<vmem>>
        %dma_start3A_142 = tpu.memref_squeeze %dma_start3A_141 : memref<1x8x64xi32, #tpu.memory_space<vmem>> -> memref<8x64xi32, #tpu.memory_space<vmem>>
        %dma_start3A_143 = arith.constant 0 : i32
        %dma_start3A_144 = arith.constant 0 : i32
        %dma_start3A_145 = tpu.memref_slice %arg3[%arg0, %arg1, %add3A_137, %dma_start3A_143, %dma_start3A_144] : memref<2x16x79x8x64xi32, #tpu.memory_space<hbm>> -> memref<1x1x1x8x64xi32, #tpu.memory_space<hbm>>
        %dma_start3A_146 = tpu.memref_squeeze %dma_start3A_145 : memref<1x1x1x8x64xi32, #tpu.memory_space<hbm>> -> memref<8x64xi32, #tpu.memory_space<hbm>>
        %dma_start3A_147 = arith.constant 0 : i32
        %dma_start3A_148 = arith.constant 0 : i32
        %dma_start3A_149 = tpu.memref_slice %arg5[%sub3A_138, %dma_start3A_147, %dma_start3A_148] : memref<2x8x64xi32, #tpu.memory_space<vmem>> -> memref<1x8x64xi32, #tpu.memory_space<vmem>>
        %dma_start3A_150 = tpu.memref_squeeze %dma_start3A_149 : memref<1x8x64xi32, #tpu.memory_space<vmem>> -> memref<8x64xi32, #tpu.memory_space<vmem>>
        %dma_start3A_151 = arith.constant 0 : i32
        %dma_start3A_152 = arith.constant 0 : i32
        %dma_start3A_153 = tpu.memref_slice %arg3[%arg0, %arg1, %add3A_137, %dma_start3A_151, %dma_start3A_152] : memref<2x16x79x8x64xi32, #tpu.memory_space<hbm>> -> memref<1x1x1x8x64xi32, #tpu.memory_space<hbm>>
        %dma_start3A_154 = tpu.memref_squeeze %dma_start3A_153 : memref<1x1x1x8x64xi32, #tpu.memory_space<hbm>> -> memref<8x64xi32, #tpu.memory_space<hbm>>
        tpu.enqueue_dma source(%dma_start3A_154 : memref<8x64xi32, #tpu.memory_space<hbm>>) target(%dma_start3A_150 : memref<8x64xi32, #tpu.memory_space<vmem>>) target_semaphore(%arg19 : memref<!tpu.dma_semaphore, #tpu.memory_space<semaphore_mem>>)
      } else {
      }
      %dma_wait3A = arith.constant 0 : i32
      %dma_wait3A_53 = arith.constant 0 : i32
      %dma_wait3A_54 = tpu.memref_slice %arg5[%rem3A_17, %dma_wait3A, %dma_wait3A_53] : memref<2x8x64xi32, #tpu.memory_space<vmem>> -> memref<1x1x64xi32, #tpu.memory_space<vmem>>
      %dma_wait3A_55 = tpu.memref_squeeze %dma_wait3A_54 : memref<1x1x64xi32, #tpu.memory_space<vmem>> -> memref<64xi32, #tpu.memory_space<vmem>>
      %dma_wait3A_56 = arith.constant 0 : i32
      %dma_wait3A_57 = arith.constant 0 : i32
      %dma_wait3A_58 = tpu.memref_slice %arg2[%dma_wait3A_56, %dma_wait3A_57] : memref<20480x128xf32, #tpu.memory_space<hbm>> -> memref<20480x128xf32, #tpu.memory_space<hbm>>
      tpu.wait_indirect_dma semaphore(%arg11 : memref<!tpu.dma_semaphore, #tpu.memory_space<semaphore_mem>>) src(%dma_wait3A_58 : memref<20480x128xf32, #tpu.memory_space<hbm>>) dst(%arg6 : memref<64x128xf32, #tpu.memory_space<vmem>>)
      %dma_start3A_59 = arith.constant 4 : i32
      %dma_start3A_60 = arith.constant 0 : i32
      %dma_start3A_61 = tpu.memref_slice %arg5[%rem3A_17, %dma_start3A_59, %dma_start3A_60] : memref<2x8x64xi32, #tpu.memory_space<vmem>> -> memref<1x1x64xi32, #tpu.memory_space<vmem>>
      %dma_start3A_62 = tpu.memref_squeeze %dma_start3A_61 : memref<1x1x64xi32, #tpu.memory_space<vmem>> -> memref<64xi32, #tpu.memory_space<vmem>>
      %dma_start3A_63 = arith.constant 0 : i32
      %dma_start3A_64 = arith.constant 0 : i32
      %dma_start3A_65 = tpu.memref_slice %arg10[%dma_start3A_63, %dma_start3A_64] : memref<10240x128xf32, #tpu.memory_space<vmem_shared>> -> memref<10240x128xf32, #tpu.memory_space<vmem_shared>>
      tpu.enqueue_indirect_dma source(%arg6 : memref<64x128xf32, #tpu.memory_space<vmem>>) target(%dma_start3A_65 : memref<10240x128xf32, #tpu.memory_space<vmem_shared>>) offsets(%dma_start3A_62 : memref<64xi32, #tpu.memory_space<vmem>>) semaphore(%arg15 : memref<!tpu.dma_semaphore, #tpu.memory_space<semaphore_mem>>) {add = true}
      %dma_wait3A_66 = arith.constant 1 : i32
      %dma_wait3A_67 = arith.constant 0 : i32
      %dma_wait3A_68 = tpu.memref_slice %arg5[%rem3A_17, %dma_wait3A_66, %dma_wait3A_67] : memref<2x8x64xi32, #tpu.memory_space<vmem>> -> memref<1x1x64xi32, #tpu.memory_space<vmem>>
      %dma_wait3A_69 = tpu.memref_squeeze %dma_wait3A_68 : memref<1x1x64xi32, #tpu.memory_space<vmem>> -> memref<64xi32, #tpu.memory_space<vmem>>
      %dma_wait3A_70 = arith.constant 0 : i32
      %dma_wait3A_71 = arith.constant 0 : i32
      %dma_wait3A_72 = tpu.memref_slice %arg2[%dma_wait3A_70, %dma_wait3A_71] : memref<20480x128xf32, #tpu.memory_space<hbm>> -> memref<20480x128xf32, #tpu.memory_space<hbm>>
      tpu.wait_indirect_dma semaphore(%arg12 : memref<!tpu.dma_semaphore, #tpu.memory_space<semaphore_mem>>) src(%dma_wait3A_72 : memref<20480x128xf32, #tpu.memory_space<hbm>>) dst(%arg7 : memref<64x128xf32, #tpu.memory_space<vmem>>)
      %dma_start3A_73 = arith.constant 5 : i32
      %dma_start3A_74 = arith.constant 0 : i32
      %dma_start3A_75 = tpu.memref_slice %arg5[%rem3A_17, %dma_start3A_73, %dma_start3A_74] : memref<2x8x64xi32, #tpu.memory_space<vmem>> -> memref<1x1x64xi32, #tpu.memory_space<vmem>>
      %dma_start3A_76 = tpu.memref_squeeze %dma_start3A_75 : memref<1x1x64xi32, #tpu.memory_space<vmem>> -> memref<64xi32, #tpu.memory_space<vmem>>
      %dma_start3A_77 = arith.constant 0 : i32
      %dma_start3A_78 = arith.constant 0 : i32
      %dma_start3A_79 = tpu.memref_slice %arg10[%dma_start3A_77, %dma_start3A_78] : memref<10240x128xf32, #tpu.memory_space<vmem_shared>> -> memref<10240x128xf32, #tpu.memory_space<vmem_shared>>
      tpu.enqueue_indirect_dma source(%arg7 : memref<64x128xf32, #tpu.memory_space<vmem>>) target(%dma_start3A_79 : memref<10240x128xf32, #tpu.memory_space<vmem_shared>>) offsets(%dma_start3A_76 : memref<64xi32, #tpu.memory_space<vmem>>) semaphore(%arg16 : memref<!tpu.dma_semaphore, #tpu.memory_space<semaphore_mem>>) {add = true}
      %dma_wait3A_80 = arith.constant 2 : i32
      %dma_wait3A_81 = arith.constant 0 : i32
      %dma_wait3A_82 = tpu.memref_slice %arg5[%rem3A_17, %dma_wait3A_80, %dma_wait3A_81] : memref<2x8x64xi32, #tpu.memory_space<vmem>> -> memref<1x1x64xi32, #tpu.memory_space<vmem>>
      %dma_wait3A_83 = tpu.memref_squeeze %dma_wait3A_82 : memref<1x1x64xi32, #tpu.memory_space<vmem>> -> memref<64xi32, #tpu.memory_space<vmem>>
      %dma_wait3A_84 = arith.constant 0 : i32
      %dma_wait3A_85 = arith.constant 0 : i32
      %dma_wait3A_86 = tpu.memref_slice %arg2[%dma_wait3A_84, %dma_wait3A_85] : memref<20480x128xf32, #tpu.memory_space<hbm>> -> memref<20480x128xf32, #tpu.memory_space<hbm>>
      tpu.wait_indirect_dma semaphore(%arg13 : memref<!tpu.dma_semaphore, #tpu.memory_space<semaphore_mem>>) src(%dma_wait3A_86 : memref<20480x128xf32, #tpu.memory_space<hbm>>) dst(%arg8 : memref<64x128xf32, #tpu.memory_space<vmem>>)
      %dma_start3A_87 = arith.constant 6 : i32
      %dma_start3A_88 = arith.constant 0 : i32
      %dma_start3A_89 = tpu.memref_slice %arg5[%rem3A_17, %dma_start3A_87, %dma_start3A_88] : memref<2x8x64xi32, #tpu.memory_space<vmem>> -> memref<1x1x64xi32, #tpu.memory_space<vmem>>
      %dma_start3A_90 = tpu.memref_squeeze %dma_start3A_89 : memref<1x1x64xi32, #tpu.memory_space<vmem>> -> memref<64xi32, #tpu.memory_space<vmem>>
      %dma_start3A_91 = arith.constant 0 : i32
      %dma_start3A_92 = arith.constant 0 : i32
      %dma_start3A_93 = tpu.memref_slice %arg10[%dma_start3A_91, %dma_start3A_92] : memref<10240x128xf32, #tpu.memory_space<vmem_shared>> -> memref<10240x128xf32, #tpu.memory_space<vmem_shared>>
      tpu.enqueue_indirect_dma source(%arg8 : memref<64x128xf32, #tpu.memory_space<vmem>>) target(%dma_start3A_93 : memref<10240x128xf32, #tpu.memory_space<vmem_shared>>) offsets(%dma_start3A_90 : memref<64xi32, #tpu.memory_space<vmem>>) semaphore(%arg17 : memref<!tpu.dma_semaphore, #tpu.memory_space<semaphore_mem>>) {add = true}
      %dma_wait3A_94 = arith.constant 3 : i32
      %dma_wait3A_95 = arith.constant 0 : i32
      %dma_wait3A_96 = tpu.memref_slice %arg5[%rem3A_17, %dma_wait3A_94, %dma_wait3A_95] : memref<2x8x64xi32, #tpu.memory_space<vmem>> -> memref<1x1x64xi32, #tpu.memory_space<vmem>>
      %dma_wait3A_97 = tpu.memref_squeeze %dma_wait3A_96 : memref<1x1x64xi32, #tpu.memory_space<vmem>> -> memref<64xi32, #tpu.memory_space<vmem>>
      %dma_wait3A_98 = arith.constant 0 : i32
      %dma_wait3A_99 = arith.constant 0 : i32
      %dma_wait3A_100 = tpu.memref_slice %arg2[%dma_wait3A_98, %dma_wait3A_99] : memref<20480x128xf32, #tpu.memory_space<hbm>> -> memref<20480x128xf32, #tpu.memory_space<hbm>>
      tpu.wait_indirect_dma semaphore(%arg14 : memref<!tpu.dma_semaphore, #tpu.memory_space<semaphore_mem>>) src(%dma_wait3A_100 : memref<20480x128xf32, #tpu.memory_space<hbm>>) dst(%arg9 : memref<64x128xf32, #tpu.memory_space<vmem>>)
      %dma_start3A_101 = arith.constant 7 : i32
      %dma_start3A_102 = arith.constant 0 : i32
      %dma_start3A_103 = tpu.memref_slice %arg5[%rem3A_17, %dma_start3A_101, %dma_start3A_102] : memref<2x8x64xi32, #tpu.memory_space<vmem>> -> memref<1x1x64xi32, #tpu.memory_space<vmem>>
      %dma_start3A_104 = tpu.memref_squeeze %dma_start3A_103 : memref<1x1x64xi32, #tpu.memory_space<vmem>> -> memref<64xi32, #tpu.memory_space<vmem>>
      %dma_start3A_105 = arith.constant 0 : i32
      %dma_start3A_106 = arith.constant 0 : i32
      %dma_start3A_107 = tpu.memref_slice %arg10[%dma_start3A_105, %dma_start3A_106] : memref<10240x128xf32, #tpu.memory_space<vmem_shared>> -> memref<10240x128xf32, #tpu.memory_space<vmem_shared>>
      tpu.enqueue_indirect_dma source(%arg9 : memref<64x128xf32, #tpu.memory_space<vmem>>) target(%dma_start3A_107 : memref<10240x128xf32, #tpu.memory_space<vmem_shared>>) offsets(%dma_start3A_104 : memref<64xi32, #tpu.memory_space<vmem>>) semaphore(%arg18 : memref<!tpu.dma_semaphore, #tpu.memory_space<semaphore_mem>>) {add = true}
      %dma_wait3A_108 = arith.constant 4 : i32
      %dma_wait3A_109 = arith.constant 0 : i32
      %dma_wait3A_110 = tpu.memref_slice %arg5[%rem3A_17, %dma_wait3A_108, %dma_wait3A_109] : memref<2x8x64xi32, #tpu.memory_space<vmem>> -> memref<1x1x64xi32, #tpu.memory_space<vmem>>
      %dma_wait3A_111 = tpu.memref_squeeze %dma_wait3A_110 : memref<1x1x64xi32, #tpu.memory_space<vmem>> -> memref<64xi32, #tpu.memory_space<vmem>>
      %dma_wait3A_112 = arith.constant 0 : i32
      %dma_wait3A_113 = arith.constant 0 : i32
      %dma_wait3A_114 = tpu.memref_slice %arg10[%dma_wait3A_112, %dma_wait3A_113] : memref<10240x128xf32, #tpu.memory_space<vmem_shared>> -> memref<10240x128xf32, #tpu.memory_space<vmem_shared>>
      tpu.wait_indirect_dma semaphore(%arg15 : memref<!tpu.dma_semaphore, #tpu.memory_space<semaphore_mem>>) src(%arg6 : memref<64x128xf32, #tpu.memory_space<vmem>>) dst(%dma_wait3A_114 : memref<10240x128xf32, #tpu.memory_space<vmem_shared>>)
      %dma_wait3A_115 = arith.constant 5 : i32
      %dma_wait3A_116 = arith.constant 0 : i32
      %dma_wait3A_117 = tpu.memref_slice %arg5[%rem3A_17, %dma_wait3A_115, %dma_wait3A_116] : memref<2x8x64xi32, #tpu.memory_space<vmem>> -> memref<1x1x64xi32, #tpu.memory_space<vmem>>
      %dma_wait3A_118 = tpu.memref_squeeze %dma_wait3A_117 : memref<1x1x64xi32, #tpu.memory_space<vmem>> -> memref<64xi32, #tpu.memory_space<vmem>>
      %dma_wait3A_119 = arith.constant 0 : i32
      %dma_wait3A_120 = arith.constant 0 : i32
      %dma_wait3A_121 = tpu.memref_slice %arg10[%dma_wait3A_119, %dma_wait3A_120] : memref<10240x128xf32, #tpu.memory_space<vmem_shared>> -> memref<10240x128xf32, #tpu.memory_space<vmem_shared>>
      tpu.wait_indirect_dma semaphore(%arg16 : memref<!tpu.dma_semaphore, #tpu.memory_space<semaphore_mem>>) src(%arg7 : memref<64x128xf32, #tpu.memory_space<vmem>>) dst(%dma_wait3A_121 : memref<10240x128xf32, #tpu.memory_space<vmem_shared>>)
      %dma_wait3A_122 = arith.constant 6 : i32
      %dma_wait3A_123 = arith.constant 0 : i32
      %dma_wait3A_124 = tpu.memref_slice %arg5[%rem3A_17, %dma_wait3A_122, %dma_wait3A_123] : memref<2x8x64xi32, #tpu.memory_space<vmem>> -> memref<1x1x64xi32, #tpu.memory_space<vmem>>
      %dma_wait3A_125 = tpu.memref_squeeze %dma_wait3A_124 : memref<1x1x64xi32, #tpu.memory_space<vmem>> -> memref<64xi32, #tpu.memory_space<vmem>>
      %dma_wait3A_126 = arith.constant 0 : i32
      %dma_wait3A_127 = arith.constant 0 : i32
      %dma_wait3A_128 = tpu.memref_slice %arg10[%dma_wait3A_126, %dma_wait3A_127] : memref<10240x128xf32, #tpu.memory_space<vmem_shared>> -> memref<10240x128xf32, #tpu.memory_space<vmem_shared>>
      tpu.wait_indirect_dma semaphore(%arg17 : memref<!tpu.dma_semaphore, #tpu.memory_space<semaphore_mem>>) src(%arg8 : memref<64x128xf32, #tpu.memory_space<vmem>>) dst(%dma_wait3A_128 : memref<10240x128xf32, #tpu.memory_space<vmem_shared>>)
      %dma_wait3A_129 = arith.constant 7 : i32
      %dma_wait3A_130 = arith.constant 0 : i32
      %dma_wait3A_131 = tpu.memref_slice %arg5[%rem3A_17, %dma_wait3A_129, %dma_wait3A_130] : memref<2x8x64xi32, #tpu.memory_space<vmem>> -> memref<1x1x64xi32, #tpu.memory_space<vmem>>
      %dma_wait3A_132 = tpu.memref_squeeze %dma_wait3A_131 : memref<1x1x64xi32, #tpu.memory_space<vmem>> -> memref<64xi32, #tpu.memory_space<vmem>>
      %dma_wait3A_133 = arith.constant 0 : i32
      %dma_wait3A_134 = arith.constant 0 : i32
      %dma_wait3A_135 = tpu.memref_slice %arg10[%dma_wait3A_133, %dma_wait3A_134] : memref<10240x128xf32, #tpu.memory_space<vmem_shared>> -> memref<10240x128xf32, #tpu.memory_space<vmem_shared>>
      tpu.wait_indirect_dma semaphore(%arg18 : memref<!tpu.dma_semaphore, #tpu.memory_space<semaphore_mem>>) src(%arg9 : memref<64x128xf32, #tpu.memory_space<vmem>>) dst(%dma_wait3A_135 : memref<10240x128xf32, #tpu.memory_space<vmem_shared>>)
    }
    %scan3A_10 = arith.constant 79 : i32
    %barrier3A_11 = arith.constant 0 : index
    tpu.barrier barrier_id(%barrier3A_11)
    %mul3A_12 = arith.constant 640 : i32
    %mul3A_13 = arith.muli %arg1, %mul3A_12 : i32
    %mul3A_14 = arith.constant 640 : i32
    %mul3A_15 = arith.muli %arg1, %mul3A_14 : i32
    "tpu.region"() ({
      %run_scoped3A_16 = tpu.sem_alloc : memref<!tpu.dma_semaphore, #tpu.memory_space<semaphore_mem>>
      %dma_start3A = arith.constant 0 : i32
      %dma_start3A_17 = tpu.memref_slice %arg4[%arg0, %mul3A_15, %dma_start3A] : memref<2x10240x128xf32, #tpu.memory_space<hbm>> -> memref<1x640x128xf32, #tpu.memory_space<hbm>>
      %dma_start3A_18 = tpu.memref_squeeze %dma_start3A_17 : memref<1x640x128xf32, #tpu.memory_space<hbm>> -> memref<640x128xf32, #tpu.memory_space<hbm>>
      %dma_start3A_19 = arith.constant 0 : i32
      %dma_start3A_20 = tpu.memref_slice %arg10[%mul3A_13, %dma_start3A_19] : memref<10240x128xf32, #tpu.memory_space<vmem_shared>> -> memref<640x128xf32, #tpu.memory_space<vmem_shared>>
      tpu.enqueue_dma source(%dma_start3A_20 : memref<640x128xf32, #tpu.memory_space<vmem_shared>>) target(%dma_start3A_18 : memref<640x128xf32, #tpu.memory_space<hbm>>) target_semaphore(%run_scoped3A_16 : memref<!tpu.dma_semaphore, #tpu.memory_space<semaphore_mem>>)
      %dma_wait3A = arith.constant 0 : i32
      %dma_wait3A_21 = tpu.memref_slice %arg4[%arg0, %mul3A_15, %dma_wait3A] : memref<2x10240x128xf32, #tpu.memory_space<hbm>> -> memref<1x640x128xf32, #tpu.memory_space<hbm>>
      %dma_wait3A_22 = tpu.memref_squeeze %dma_wait3A_21 : memref<1x640x128xf32, #tpu.memory_space<hbm>> -> memref<640x128xf32, #tpu.memory_space<hbm>>
      %dma_wait3A_23 = arith.constant 0 : i32
      %dma_wait3A_24 = tpu.memref_slice %arg10[%mul3A_13, %dma_wait3A_23] : memref<10240x128xf32, #tpu.memory_space<vmem_shared>> -> memref<640x128xf32, #tpu.memory_space<vmem_shared>>
      tpu.wait_dma2 semaphore(%run_scoped3A_16 : memref<!tpu.dma_semaphore, #tpu.memory_space<semaphore_mem>>) src(%dma_wait3A_24 : memref<640x128xf32, #tpu.memory_space<vmem_shared>>) dst(%dma_wait3A_22 : memref<640x128xf32, #tpu.memory_space<hbm>>)
      tpu.yield
    }) : () -> ()
    return
  }
}

#map = affine_map<(d0, d1) -> (0, 0, 0)>
#map1 = affine_map<(d0, d1) -> (0, 0)>
#map2 = affine_map<(d0, d1) -> (0)>
module attributes {stable_mosaic.version = 14 : i64} {
  func.func @_svec_body(%arg0: i32, %arg1: i32, %arg2: memref<2x16x20224xi32, #tpu.memory_space<hbm>>, %arg3: memref<2x16x20224xi32, #tpu.memory_space<hbm>>, %arg4: memref<2x10240xf32, #tpu.memory_space<hbm>>, %arg5: memref<10240xf32, #tpu.memory_space<hbm>>, %arg6: memref<2x16x10240xf32, #tpu.memory_space<hbm>>, %arg7: memref<20224xi32, #tpu.memory_space<vmem>>, %arg8: memref<20224xi32, #tpu.memory_space<vmem>>, %arg9: memref<10240xf32, #tpu.memory_space<vmem>>, %arg10: memref<10240xf32, #tpu.memory_space<vmem>>) attributes {dimension_semantics = [#tpu.dimension_semantics<core_parallel>, #tpu.dimension_semantics<subcore_parallel>], iteration_bounds = array<i64: 2, 16>, scalar_prefetch = 0 : i64, scratch_operands = 4 : i64, tpu.core_type = #tpu.core_type<sc_vector_subcore>, window_params = [{transform_indices = #map}, {transform_indices = #map}, {transform_indices = #map1}, {transform_indices = #map2}, {transform_indices = #map}]} {
    "tpu.region"() ({
      %run_scoped3A = tpu.sem_alloc : memref<!tpu.dma_semaphore, #tpu.memory_space<semaphore_mem>>
      %dma_start3A = arith.constant 0 : i32
      %dma_start3A_5 = tpu.memref_slice %arg2[%arg0, %arg1, %dma_start3A] : memref<2x16x20224xi32, #tpu.memory_space<hbm>> -> memref<1x1x20224xi32, #tpu.memory_space<hbm>>
      %dma_start3A_6 = tpu.memref_squeeze %dma_start3A_5 : memref<1x1x20224xi32, #tpu.memory_space<hbm>> -> memref<20224xi32, #tpu.memory_space<hbm>>
      %dma_start3A_7 = arith.constant 0 : i32
      %dma_start3A_8 = tpu.memref_slice %arg2[%arg0, %arg1, %dma_start3A_7] : memref<2x16x20224xi32, #tpu.memory_space<hbm>> -> memref<1x1x20224xi32, #tpu.memory_space<hbm>>
      %dma_start3A_9 = tpu.memref_squeeze %dma_start3A_8 : memref<1x1x20224xi32, #tpu.memory_space<hbm>> -> memref<20224xi32, #tpu.memory_space<hbm>>
      tpu.enqueue_dma source(%dma_start3A_9 : memref<20224xi32, #tpu.memory_space<hbm>>) target(%arg7 : memref<20224xi32, #tpu.memory_space<vmem>>) target_semaphore(%run_scoped3A : memref<!tpu.dma_semaphore, #tpu.memory_space<semaphore_mem>>)
      %dma_wait3A = arith.constant 0 : i32
      %dma_wait3A_10 = tpu.memref_slice %arg2[%arg0, %arg1, %dma_wait3A] : memref<2x16x20224xi32, #tpu.memory_space<hbm>> -> memref<1x1x20224xi32, #tpu.memory_space<hbm>>
      %dma_wait3A_11 = tpu.memref_squeeze %dma_wait3A_10 : memref<1x1x20224xi32, #tpu.memory_space<hbm>> -> memref<20224xi32, #tpu.memory_space<hbm>>
      %dma_wait3A_12 = arith.constant 0 : i32
      %dma_wait3A_13 = tpu.memref_slice %arg2[%arg0, %arg1, %dma_wait3A_12] : memref<2x16x20224xi32, #tpu.memory_space<hbm>> -> memref<1x1x20224xi32, #tpu.memory_space<hbm>>
      %dma_wait3A_14 = tpu.memref_squeeze %dma_wait3A_13 : memref<1x1x20224xi32, #tpu.memory_space<hbm>> -> memref<20224xi32, #tpu.memory_space<hbm>>
      tpu.wait_dma2 semaphore(%run_scoped3A : memref<!tpu.dma_semaphore, #tpu.memory_space<semaphore_mem>>) src(%dma_wait3A_14 : memref<20224xi32, #tpu.memory_space<hbm>>) dst(%arg7 : memref<20224xi32, #tpu.memory_space<vmem>>)
      tpu.yield
    }) : () -> ()
    "tpu.region"() ({
      %run_scoped3A = tpu.sem_alloc : memref<!tpu.dma_semaphore, #tpu.memory_space<semaphore_mem>>
      %dma_start3A = arith.constant 0 : i32
      %dma_start3A_5 = tpu.memref_slice %arg3[%arg0, %arg1, %dma_start3A] : memref<2x16x20224xi32, #tpu.memory_space<hbm>> -> memref<1x1x20224xi32, #tpu.memory_space<hbm>>
      %dma_start3A_6 = tpu.memref_squeeze %dma_start3A_5 : memref<1x1x20224xi32, #tpu.memory_space<hbm>> -> memref<20224xi32, #tpu.memory_space<hbm>>
      %dma_start3A_7 = arith.constant 0 : i32
      %dma_start3A_8 = tpu.memref_slice %arg3[%arg0, %arg1, %dma_start3A_7] : memref<2x16x20224xi32, #tpu.memory_space<hbm>> -> memref<1x1x20224xi32, #tpu.memory_space<hbm>>
      %dma_start3A_9 = tpu.memref_squeeze %dma_start3A_8 : memref<1x1x20224xi32, #tpu.memory_space<hbm>> -> memref<20224xi32, #tpu.memory_space<hbm>>
      tpu.enqueue_dma source(%dma_start3A_9 : memref<20224xi32, #tpu.memory_space<hbm>>) target(%arg8 : memref<20224xi32, #tpu.memory_space<vmem>>) target_semaphore(%run_scoped3A : memref<!tpu.dma_semaphore, #tpu.memory_space<semaphore_mem>>)
      %dma_wait3A = arith.constant 0 : i32
      %dma_wait3A_10 = tpu.memref_slice %arg3[%arg0, %arg1, %dma_wait3A] : memref<2x16x20224xi32, #tpu.memory_space<hbm>> -> memref<1x1x20224xi32, #tpu.memory_space<hbm>>
      %dma_wait3A_11 = tpu.memref_squeeze %dma_wait3A_10 : memref<1x1x20224xi32, #tpu.memory_space<hbm>> -> memref<20224xi32, #tpu.memory_space<hbm>>
      %dma_wait3A_12 = arith.constant 0 : i32
      %dma_wait3A_13 = tpu.memref_slice %arg3[%arg0, %arg1, %dma_wait3A_12] : memref<2x16x20224xi32, #tpu.memory_space<hbm>> -> memref<1x1x20224xi32, #tpu.memory_space<hbm>>
      %dma_wait3A_14 = tpu.memref_squeeze %dma_wait3A_13 : memref<1x1x20224xi32, #tpu.memory_space<hbm>> -> memref<20224xi32, #tpu.memory_space<hbm>>
      tpu.wait_dma2 semaphore(%run_scoped3A : memref<!tpu.dma_semaphore, #tpu.memory_space<semaphore_mem>>) src(%dma_wait3A_14 : memref<20224xi32, #tpu.memory_space<hbm>>) dst(%arg8 : memref<20224xi32, #tpu.memory_space<vmem>>)
      tpu.yield
    }) : () -> ()
    "tpu.region"() ({
      %run_scoped3A = tpu.sem_alloc : memref<!tpu.dma_semaphore, #tpu.memory_space<semaphore_mem>>
      %dma_start3A = arith.constant 0 : i32
      %dma_start3A_5 = tpu.memref_slice %arg4[%arg0, %dma_start3A] : memref<2x10240xf32, #tpu.memory_space<hbm>> -> memref<1x10240xf32, #tpu.memory_space<hbm>>
      %dma_start3A_6 = tpu.memref_squeeze %dma_start3A_5 : memref<1x10240xf32, #tpu.memory_space<hbm>> -> memref<10240xf32, #tpu.memory_space<hbm>>
      %dma_start3A_7 = arith.constant 0 : i32
      %dma_start3A_8 = tpu.memref_slice %arg4[%arg0, %dma_start3A_7] : memref<2x10240xf32, #tpu.memory_space<hbm>> -> memref<1x10240xf32, #tpu.memory_space<hbm>>
      %dma_start3A_9 = tpu.memref_squeeze %dma_start3A_8 : memref<1x10240xf32, #tpu.memory_space<hbm>> -> memref<10240xf32, #tpu.memory_space<hbm>>
      tpu.enqueue_dma source(%dma_start3A_9 : memref<10240xf32, #tpu.memory_space<hbm>>) target(%arg9 : memref<10240xf32, #tpu.memory_space<vmem>>) target_semaphore(%run_scoped3A : memref<!tpu.dma_semaphore, #tpu.memory_space<semaphore_mem>>)
      %dma_wait3A = arith.constant 0 : i32
      %dma_wait3A_10 = tpu.memref_slice %arg4[%arg0, %dma_wait3A] : memref<2x10240xf32, #tpu.memory_space<hbm>> -> memref<1x10240xf32, #tpu.memory_space<hbm>>
      %dma_wait3A_11 = tpu.memref_squeeze %dma_wait3A_10 : memref<1x10240xf32, #tpu.memory_space<hbm>> -> memref<10240xf32, #tpu.memory_space<hbm>>
      %dma_wait3A_12 = arith.constant 0 : i32
      %dma_wait3A_13 = tpu.memref_slice %arg4[%arg0, %dma_wait3A_12] : memref<2x10240xf32, #tpu.memory_space<hbm>> -> memref<1x10240xf32, #tpu.memory_space<hbm>>
      %dma_wait3A_14 = tpu.memref_squeeze %dma_wait3A_13 : memref<1x10240xf32, #tpu.memory_space<hbm>> -> memref<10240xf32, #tpu.memory_space<hbm>>
      tpu.wait_dma2 semaphore(%run_scoped3A : memref<!tpu.dma_semaphore, #tpu.memory_space<semaphore_mem>>) src(%dma_wait3A_14 : memref<10240xf32, #tpu.memory_space<hbm>>) dst(%arg9 : memref<10240xf32, #tpu.memory_space<vmem>>)
      tpu.yield
    }) : () -> ()
    "tpu.region"() ({
      %run_scoped3A = tpu.sem_alloc : memref<!tpu.dma_semaphore, #tpu.memory_space<semaphore_mem>>
      tpu.enqueue_dma source(%arg5 : memref<10240xf32, #tpu.memory_space<hbm>>) target(%arg10 : memref<10240xf32, #tpu.memory_space<vmem>>) target_semaphore(%run_scoped3A : memref<!tpu.dma_semaphore, #tpu.memory_space<semaphore_mem>>)
      tpu.wait_dma2 semaphore(%run_scoped3A : memref<!tpu.dma_semaphore, #tpu.memory_space<semaphore_mem>>) src(%arg5 : memref<10240xf32, #tpu.memory_space<hbm>>) dst(%arg10 : memref<10240xf32, #tpu.memory_space<vmem>>)
      tpu.yield
    }) : () -> ()
    %scan3A = arith.constant 0 : i32
    %scan3A_0 = arith.constant 0 : i32
    %scan3A_1 = arith.constant 1264 : i32
    %scan3A_2 = arith.addi %scan3A_0, %scan3A_1 : i32
    %scan3A_3 = arith.constant 1 : i32
    scf.for %scan3A_5 = %scan3A_0 to %scan3A_2 step %scan3A_3  : i32 {
      %mul3A = arith.constant 16 : i32
      %mul3A_6 = arith.muli %scan3A_5, %mul3A : i32
      %get3A = arith.index_cast %mul3A_6 : i32 to index
      %get3A_7 = tpu.vector_load %arg8[%get3A] {strides = array<i32>} : memref<20224xi32, #tpu.memory_space<vmem>>, vector<16xi32>,
      %gather3A = tpu.vector_load_idx %arg9[%get3A_7] : memref<10240xf32, #tpu.memory_space<vmem>>[vector<16xi32>], vector<16xf32>,
      %get3A_8 = arith.index_cast %mul3A_6 : i32 to index
      %get3A_9 = tpu.vector_load %arg7[%get3A_8] {strides = array<i32>} : memref<20224xi32, #tpu.memory_space<vmem>>, vector<16xi32>,
      tpu.vector_store_idx %arg10[%get3A_9], %gather3A {add = true} : memref<10240xf32, #tpu.memory_space<vmem>>[vector<16xi32>], vector<16xf32>,
    }
    %scan3A_4 = arith.constant 1264 : i32
    "tpu.region"() ({
      %run_scoped3A = tpu.sem_alloc : memref<!tpu.dma_semaphore, #tpu.memory_space<semaphore_mem>>
      %dma_start3A = arith.constant 0 : i32
      %dma_start3A_5 = tpu.memref_slice %arg6[%arg0, %arg1, %dma_start3A] : memref<2x16x10240xf32, #tpu.memory_space<hbm>> -> memref<1x1x10240xf32, #tpu.memory_space<hbm>>
      %dma_start3A_6 = tpu.memref_squeeze %dma_start3A_5 : memref<1x1x10240xf32, #tpu.memory_space<hbm>> -> memref<10240xf32, #tpu.memory_space<hbm>>
      %dma_start3A_7 = arith.constant 0 : i32
      %dma_start3A_8 = tpu.memref_slice %arg6[%arg0, %arg1, %dma_start3A_7] : memref<2x16x10240xf32, #tpu.memory_space<hbm>> -> memref<1x1x10240xf32, #tpu.memory_space<hbm>>
      %dma_start3A_9 = tpu.memref_squeeze %dma_start3A_8 : memref<1x1x10240xf32, #tpu.memory_space<hbm>> -> memref<10240xf32, #tpu.memory_space<hbm>>
      tpu.enqueue_dma source(%arg10 : memref<10240xf32, #tpu.memory_space<vmem>>) target(%dma_start3A_9 : memref<10240xf32, #tpu.memory_space<hbm>>) target_semaphore(%run_scoped3A : memref<!tpu.dma_semaphore, #tpu.memory_space<semaphore_mem>>)
      %dma_wait3A = arith.constant 0 : i32
      %dma_wait3A_10 = tpu.memref_slice %arg6[%arg0, %arg1, %dma_wait3A] : memref<2x16x10240xf32, #tpu.memory_space<hbm>> -> memref<1x1x10240xf32, #tpu.memory_space<hbm>>
      %dma_wait3A_11 = tpu.memref_squeeze %dma_wait3A_10 : memref<1x1x10240xf32, #tpu.memory_space<hbm>> -> memref<10240xf32, #tpu.memory_space<hbm>>
      %dma_wait3A_12 = arith.constant 0 : i32
      %dma_wait3A_13 = tpu.memref_slice %arg6[%arg0, %arg1, %dma_wait3A_12] : memref<2x16x10240xf32, #tpu.memory_space<hbm>> -> memref<1x1x10240xf32, #tpu.memory_space<hbm>>
      %dma_wait3A_14 = tpu.memref_squeeze %dma_wait3A_13 : memref<1x1x10240xf32, #tpu.memory_space<hbm>> -> memref<10240xf32, #tpu.memory_space<hbm>>
      tpu.wait_dma2 semaphore(%run_scoped3A : memref<!tpu.dma_semaphore, #tpu.memory_space<semaphore_mem>>) src(%arg10 : memref<10240xf32, #tpu.memory_space<vmem>>) dst(%dma_wait3A_14 : memref<10240xf32, #tpu.memory_space<hbm>>)
      tpu.yield
    }) : () -> ()
    return
  }
}

#map = affine_map<(d0, d1) -> (0, 0, 0)>
#map1 = affine_map<(d0, d1) -> (0)>
module attributes {stable_mosaic.version = 14 : i64} {
  func.func @_deg_body(%arg0: i32, %arg1: i32, %arg2: memref<2x16x20224xi32, #tpu.memory_space<hbm>>, %arg3: memref<10240xf32, #tpu.memory_space<hbm>>, %arg4: memref<2x16x10240xf32, #tpu.memory_space<hbm>>, %arg5: memref<20224xi32, #tpu.memory_space<vmem>>, %arg6: memref<10240xf32, #tpu.memory_space<vmem>>) attributes {dimension_semantics = [#tpu.dimension_semantics<core_parallel>, #tpu.dimension_semantics<subcore_parallel>], iteration_bounds = array<i64: 2, 16>, scalar_prefetch = 0 : i64, scratch_operands = 2 : i64, tpu.core_type = #tpu.core_type<sc_vector_subcore>, window_params = [{transform_indices = #map}, {transform_indices = #map1}, {transform_indices = #map}]} {
    "tpu.region"() ({
      %run_scoped3A = tpu.sem_alloc : memref<!tpu.dma_semaphore, #tpu.memory_space<semaphore_mem>>
      %dma_start3A = arith.constant 0 : i32
      %dma_start3A_6 = tpu.memref_slice %arg2[%arg0, %arg1, %dma_start3A] : memref<2x16x20224xi32, #tpu.memory_space<hbm>> -> memref<1x1x20224xi32, #tpu.memory_space<hbm>>
      %dma_start3A_7 = tpu.memref_squeeze %dma_start3A_6 : memref<1x1x20224xi32, #tpu.memory_space<hbm>> -> memref<20224xi32, #tpu.memory_space<hbm>>
      %dma_start3A_8 = arith.constant 0 : i32
      %dma_start3A_9 = tpu.memref_slice %arg2[%arg0, %arg1, %dma_start3A_8] : memref<2x16x20224xi32, #tpu.memory_space<hbm>> -> memref<1x1x20224xi32, #tpu.memory_space<hbm>>
      %dma_start3A_10 = tpu.memref_squeeze %dma_start3A_9 : memref<1x1x20224xi32, #tpu.memory_space<hbm>> -> memref<20224xi32, #tpu.memory_space<hbm>>
      tpu.enqueue_dma source(%dma_start3A_10 : memref<20224xi32, #tpu.memory_space<hbm>>) target(%arg5 : memref<20224xi32, #tpu.memory_space<vmem>>) target_semaphore(%run_scoped3A : memref<!tpu.dma_semaphore, #tpu.memory_space<semaphore_mem>>)
      %dma_wait3A = arith.constant 0 : i32
      %dma_wait3A_11 = tpu.memref_slice %arg2[%arg0, %arg1, %dma_wait3A] : memref<2x16x20224xi32, #tpu.memory_space<hbm>> -> memref<1x1x20224xi32, #tpu.memory_space<hbm>>
      %dma_wait3A_12 = tpu.memref_squeeze %dma_wait3A_11 : memref<1x1x20224xi32, #tpu.memory_space<hbm>> -> memref<20224xi32, #tpu.memory_space<hbm>>
      %dma_wait3A_13 = arith.constant 0 : i32
      %dma_wait3A_14 = tpu.memref_slice %arg2[%arg0, %arg1, %dma_wait3A_13] : memref<2x16x20224xi32, #tpu.memory_space<hbm>> -> memref<1x1x20224xi32, #tpu.memory_space<hbm>>
      %dma_wait3A_15 = tpu.memref_squeeze %dma_wait3A_14 : memref<1x1x20224xi32, #tpu.memory_space<hbm>> -> memref<20224xi32, #tpu.memory_space<hbm>>
      tpu.wait_dma2 semaphore(%run_scoped3A : memref<!tpu.dma_semaphore, #tpu.memory_space<semaphore_mem>>) src(%dma_wait3A_15 : memref<20224xi32, #tpu.memory_space<hbm>>) dst(%arg5 : memref<20224xi32, #tpu.memory_space<vmem>>)
      tpu.yield
    }) : () -> ()
    "tpu.region"() ({
      %run_scoped3A = tpu.sem_alloc : memref<!tpu.dma_semaphore, #tpu.memory_space<semaphore_mem>>
      tpu.enqueue_dma source(%arg3 : memref<10240xf32, #tpu.memory_space<hbm>>) target(%arg6 : memref<10240xf32, #tpu.memory_space<vmem>>) target_semaphore(%run_scoped3A : memref<!tpu.dma_semaphore, #tpu.memory_space<semaphore_mem>>)
      tpu.wait_dma2 semaphore(%run_scoped3A : memref<!tpu.dma_semaphore, #tpu.memory_space<semaphore_mem>>) src(%arg3 : memref<10240xf32, #tpu.memory_space<hbm>>) dst(%arg6 : memref<10240xf32, #tpu.memory_space<vmem>>)
      tpu.yield
    }) : () -> ()
    %broadcast_in_dim3A = arith.constant 1.000000e+00 : f32
    %broadcast_in_dim3A_0 = vector.broadcast %broadcast_in_dim3A : f32 to vector<16xf32>
    %scan3A = arith.constant 0 : i32
    %scan3A_1 = arith.constant 0 : i32
    %scan3A_2 = arith.constant 1264 : i32
    %scan3A_3 = arith.addi %scan3A_1, %scan3A_2 : i32
    %scan3A_4 = arith.constant 1 : i32
    scf.for %scan3A_6 = %scan3A_1 to %scan3A_3 step %scan3A_4  : i32 {
      %mul3A = arith.constant 16 : i32
      %mul3A_7 = arith.muli %scan3A_6, %mul3A : i32
      %get3A = arith.index_cast %mul3A_7 : i32 to index
      %get3A_8 = tpu.vector_load %arg5[%get3A] {strides = array<i32>} : memref<20224xi32, #tpu.memory_space<vmem>>, vector<16xi32>,
      tpu.vector_store_idx %arg6[%get3A_8], %broadcast_in_dim3A_0 {add = true} : memref<10240xf32, #tpu.memory_space<vmem>>[vector<16xi32>], vector<16xf32>,
    }
    %scan3A_5 = arith.constant 1264 : i32
    "tpu.region"() ({
      %run_scoped3A = tpu.sem_alloc : memref<!tpu.dma_semaphore, #tpu.memory_space<semaphore_mem>>
      %dma_start3A = arith.constant 0 : i32
      %dma_start3A_6 = tpu.memref_slice %arg4[%arg0, %arg1, %dma_start3A] : memref<2x16x10240xf32, #tpu.memory_space<hbm>> -> memref<1x1x10240xf32, #tpu.memory_space<hbm>>
      %dma_start3A_7 = tpu.memref_squeeze %dma_start3A_6 : memref<1x1x10240xf32, #tpu.memory_space<hbm>> -> memref<10240xf32, #tpu.memory_space<hbm>>
      %dma_start3A_8 = arith.constant 0 : i32
      %dma_start3A_9 = tpu.memref_slice %arg4[%arg0, %arg1, %dma_start3A_8] : memref<2x16x10240xf32, #tpu.memory_space<hbm>> -> memref<1x1x10240xf32, #tpu.memory_space<hbm>>
      %dma_start3A_10 = tpu.memref_squeeze %dma_start3A_9 : memref<1x1x10240xf32, #tpu.memory_space<hbm>> -> memref<10240xf32, #tpu.memory_space<hbm>>
      tpu.enqueue_dma source(%arg6 : memref<10240xf32, #tpu.memory_space<vmem>>) target(%dma_start3A_10 : memref<10240xf32, #tpu.memory_space<hbm>>) target_semaphore(%run_scoped3A : memref<!tpu.dma_semaphore, #tpu.memory_space<semaphore_mem>>)
      %dma_wait3A = arith.constant 0 : i32
      %dma_wait3A_11 = tpu.memref_slice %arg4[%arg0, %arg1, %dma_wait3A] : memref<2x16x10240xf32, #tpu.memory_space<hbm>> -> memref<1x1x10240xf32, #tpu.memory_space<hbm>>
      %dma_wait3A_12 = tpu.memref_squeeze %dma_wait3A_11 : memref<1x1x10240xf32, #tpu.memory_space<hbm>> -> memref<10240xf32, #tpu.memory_space<hbm>>
      %dma_wait3A_13 = arith.constant 0 : i32
      %dma_wait3A_14 = tpu.memref_slice %arg4[%arg0, %arg1, %dma_wait3A_13] : memref<2x16x10240xf32, #tpu.memory_space<hbm>> -> memref<1x1x10240xf32, #tpu.memory_space<hbm>>
      %dma_wait3A_15 = tpu.memref_squeeze %dma_wait3A_14 : memref<1x1x10240xf32, #tpu.memory_space<hbm>> -> memref<10240xf32, #tpu.memory_space<hbm>>
      tpu.wait_dma2 semaphore(%run_scoped3A : memref<!tpu.dma_semaphore, #tpu.memory_space<semaphore_mem>>) src(%arg6 : memref<10240xf32, #tpu.memory_space<vmem>>) dst(%dma_wait3A_15 : memref<10240xf32, #tpu.memory_space<hbm>>)
      tpu.yield
    }) : () -> ()
    return
  }
}

#map = affine_map<(d0, d1) -> (0, 0)>
#map1 = affine_map<(d0, d1) -> (0, 0, 0, 0, 0)>
#map2 = affine_map<(d0, d1) -> (0, 0, 0)>
module attributes {stable_mosaic.version = 14 : i64} {
  func.func @_spmm_body(%arg0: i32, %arg1: i32, %arg2: memref<20480x128xf32, #tpu.memory_space<hbm>>, %arg3: memref<2x16x79x8x64xi32, #tpu.memory_space<hbm>>, %arg4: memref<2x10240x128xf32, #tpu.memory_space<hbm>>, %arg5: memref<2x8x64xi32, #tpu.memory_space<vmem>>, %arg6: memref<64x128xf32, #tpu.memory_space<vmem>>, %arg7: memref<64x128xf32, #tpu.memory_space<vmem>>, %arg8: memref<64x128xf32, #tpu.memory_space<vmem>>, %arg9: memref<64x128xf32, #tpu.memory_space<vmem>>, %arg10: memref<10240x128xf32, #tpu.memory_space<vmem_shared>>, %arg11: memref<!tpu.dma_semaphore, #tpu.memory_space<semaphore_mem>>, %arg12: memref<!tpu.dma_semaphore, #tpu.memory_space<semaphore_mem>>, %arg13: memref<!tpu.dma_semaphore, #tpu.memory_space<semaphore_mem>>, %arg14: memref<!tpu.dma_semaphore, #tpu.memory_space<semaphore_mem>>, %arg15: memref<!tpu.dma_semaphore, #tpu.memory_space<semaphore_mem>>, %arg16: memref<!tpu.dma_semaphore, #tpu.memory_space<semaphore_mem>>, %arg17: memref<!tpu.dma_semaphore, #tpu.memory_space<semaphore_mem>>, %arg18: memref<!tpu.dma_semaphore, #tpu.memory_space<semaphore_mem>>, %arg19: memref<!tpu.dma_semaphore, #tpu.memory_space<semaphore_mem>>) attributes {dimension_semantics = [#tpu.dimension_semantics<core_parallel>, #tpu.dimension_semantics<subcore_parallel>], iteration_bounds = array<i64: 2, 16>, scalar_prefetch = 0 : i64, scratch_operands = 15 : i64, tpu.core_type = #tpu.core_type<sc_vector_subcore>, window_params = [{transform_indices = #map}, {transform_indices = #map1}, {transform_indices = #map2}]} {
    %mul3A = arith.constant 10240 : i32
    %mul3A_0 = arith.muli %arg0, %mul3A : i32
    %mul3A_1 = arith.constant 640 : i32
    %mul3A_2 = arith.muli %arg1, %mul3A_1 : i32
    %add3A = arith.addi %mul3A_0, %mul3A_2 : i32
    %mul3A_3 = arith.constant 640 : i32
    %mul3A_4 = arith.muli %arg1, %mul3A_3 : i32
    "tpu.region"() ({
      %run_scoped3A_16 = tpu.sem_alloc : memref<!tpu.dma_semaphore, #tpu.memory_space<semaphore_mem>>
      %dma_start3A = arith.constant 0 : i32
      %dma_start3A_17 = tpu.memref_slice %arg10[%mul3A_4, %dma_start3A] : memref<10240x128xf32, #tpu.memory_space<vmem_shared>> -> memref<640x128xf32, #tpu.memory_space<vmem_shared>>
      %dma_start3A_18 = arith.constant 0 : i32
      %dma_start3A_19 = tpu.memref_slice %arg2[%add3A, %dma_start3A_18] : memref<20480x128xf32, #tpu.memory_space<hbm>> -> memref<640x128xf32, #tpu.memory_space<hbm>>
      tpu.enqueue_dma source(%dma_start3A_19 : memref<640x128xf32, #tpu.memory_space<hbm>>) target(%dma_start3A_17 : memref<640x128xf32, #tpu.memory_space<vmem_shared>>) target_semaphore(%run_scoped3A_16 : memref<!tpu.dma_semaphore, #tpu.memory_space<semaphore_mem>>)
      %dma_wait3A = arith.constant 0 : i32
      %dma_wait3A_20 = tpu.memref_slice %arg10[%mul3A_4, %dma_wait3A] : memref<10240x128xf32, #tpu.memory_space<vmem_shared>> -> memref<640x128xf32, #tpu.memory_space<vmem_shared>>
      %dma_wait3A_21 = arith.constant 0 : i32
      %dma_wait3A_22 = tpu.memref_slice %arg2[%add3A, %dma_wait3A_21] : memref<20480x128xf32, #tpu.memory_space<hbm>> -> memref<640x128xf32, #tpu.memory_space<hbm>>
      tpu.wait_dma2 semaphore(%run_scoped3A_16 : memref<!tpu.dma_semaphore, #tpu.memory_space<semaphore_mem>>) src(%dma_wait3A_22 : memref<640x128xf32, #tpu.memory_space<hbm>>) dst(%dma_wait3A_20 : memref<640x128xf32, #tpu.memory_space<vmem_shared>>)
      tpu.yield
    }) : () -> ()
    %barrier3A = arith.constant 0 : index
    tpu.barrier barrier_id(%barrier3A)
    %run_scoped3A = arith.constant 0 : i32
    %run_scoped3A_5 = arith.constant 0 : i32
    "tpu.region"() ({
      %run_scoped3A_16 = tpu.sem_alloc : memref<!tpu.dma_semaphore, #tpu.memory_space<semaphore_mem>>
      %dma_start3A = arith.constant 0 : i32
      %dma_start3A_17 = arith.constant 0 : i32
      %dma_start3A_18 = tpu.memref_slice %arg5[%run_scoped3A_5, %dma_start3A, %dma_start3A_17] : memref<2x8x64xi32, #tpu.memory_space<vmem>> -> memref<1x8x64xi32, #tpu.memory_space<vmem>>
      %dma_start3A_19 = tpu.memref_squeeze %dma_start3A_18 : memref<1x8x64xi32, #tpu.memory_space<vmem>> -> memref<8x64xi32, #tpu.memory_space<vmem>>
      %dma_start3A_20 = arith.constant 0 : i32
      %dma_start3A_21 = arith.constant 0 : i32
      %dma_start3A_22 = tpu.memref_slice %arg3[%arg0, %arg1, %run_scoped3A, %dma_start3A_20, %dma_start3A_21] : memref<2x16x79x8x64xi32, #tpu.memory_space<hbm>> -> memref<1x1x1x8x64xi32, #tpu.memory_space<hbm>>
      %dma_start3A_23 = tpu.memref_squeeze %dma_start3A_22 : memref<1x1x1x8x64xi32, #tpu.memory_space<hbm>> -> memref<8x64xi32, #tpu.memory_space<hbm>>
      %dma_start3A_24 = arith.constant 0 : i32
      %dma_start3A_25 = arith.constant 0 : i32
      %dma_start3A_26 = tpu.memref_slice %arg5[%run_scoped3A_5, %dma_start3A_24, %dma_start3A_25] : memref<2x8x64xi32, #tpu.memory_space<vmem>> -> memref<1x8x64xi32, #tpu.memory_space<vmem>>
      %dma_start3A_27 = tpu.memref_squeeze %dma_start3A_26 : memref<1x8x64xi32, #tpu.memory_space<vmem>> -> memref<8x64xi32, #tpu.memory_space<vmem>>
      %dma_start3A_28 = arith.constant 0 : i32
      %dma_start3A_29 = arith.constant 0 : i32
      %dma_start3A_30 = tpu.memref_slice %arg3[%arg0, %arg1, %run_scoped3A, %dma_start3A_28, %dma_start3A_29] : memref<2x16x79x8x64xi32, #tpu.memory_space<hbm>> -> memref<1x1x1x8x64xi32, #tpu.memory_space<hbm>>
      %dma_start3A_31 = tpu.memref_squeeze %dma_start3A_30 : memref<1x1x1x8x64xi32, #tpu.memory_space<hbm>> -> memref<8x64xi32, #tpu.memory_space<hbm>>
      tpu.enqueue_dma source(%dma_start3A_31 : memref<8x64xi32, #tpu.memory_space<hbm>>) target(%dma_start3A_27 : memref<8x64xi32, #tpu.memory_space<vmem>>) target_semaphore(%run_scoped3A_16 : memref<!tpu.dma_semaphore, #tpu.memory_space<semaphore_mem>>)
      %dma_wait3A = arith.constant 0 : i32
      %dma_wait3A_32 = arith.constant 0 : i32
      %dma_wait3A_33 = tpu.memref_slice %arg5[%run_scoped3A_5, %dma_wait3A, %dma_wait3A_32] : memref<2x8x64xi32, #tpu.memory_space<vmem>> -> memref<1x8x64xi32, #tpu.memory_space<vmem>>
      %dma_wait3A_34 = tpu.memref_squeeze %dma_wait3A_33 : memref<1x8x64xi32, #tpu.memory_space<vmem>> -> memref<8x64xi32, #tpu.memory_space<vmem>>
      %dma_wait3A_35 = arith.constant 0 : i32
      %dma_wait3A_36 = arith.constant 0 : i32
      %dma_wait3A_37 = tpu.memref_slice %arg3[%arg0, %arg1, %run_scoped3A, %dma_wait3A_35, %dma_wait3A_36] : memref<2x16x79x8x64xi32, #tpu.memory_space<hbm>> -> memref<1x1x1x8x64xi32, #tpu.memory_space<hbm>>
      %dma_wait3A_38 = tpu.memref_squeeze %dma_wait3A_37 : memref<1x1x1x8x64xi32, #tpu.memory_space<hbm>> -> memref<8x64xi32, #tpu.memory_space<hbm>>
      %dma_wait3A_39 = arith.constant 0 : i32
      %dma_wait3A_40 = arith.constant 0 : i32
      %dma_wait3A_41 = tpu.memref_slice %arg5[%run_scoped3A_5, %dma_wait3A_39, %dma_wait3A_40] : memref<2x8x64xi32, #tpu.memory_space<vmem>> -> memref<1x8x64xi32, #tpu.memory_space<vmem>>
      %dma_wait3A_42 = tpu.memref_squeeze %dma_wait3A_41 : memref<1x8x64xi32, #tpu.memory_space<vmem>> -> memref<8x64xi32, #tpu.memory_space<vmem>>
      %dma_wait3A_43 = arith.constant 0 : i32
      %dma_wait3A_44 = arith.constant 0 : i32
      %dma_wait3A_45 = tpu.memref_slice %arg3[%arg0, %arg1, %run_scoped3A, %dma_wait3A_43, %dma_wait3A_44] : memref<2x16x79x8x64xi32, #tpu.memory_space<hbm>> -> memref<1x1x1x8x64xi32, #tpu.memory_space<hbm>>
      %dma_wait3A_46 = tpu.memref_squeeze %dma_wait3A_45 : memref<1x1x1x8x64xi32, #tpu.memory_space<hbm>> -> memref<8x64xi32, #tpu.memory_space<hbm>>
      tpu.wait_dma2 semaphore(%run_scoped3A_16 : memref<!tpu.dma_semaphore, #tpu.memory_space<semaphore_mem>>) src(%dma_wait3A_46 : memref<8x64xi32, #tpu.memory_space<hbm>>) dst(%dma_wait3A_42 : memref<8x64xi32, #tpu.memory_space<vmem>>)
      tpu.yield
    }) : () -> ()
    %scan3A = arith.constant 0 : i32
    %scan3A_6 = arith.constant 0 : i32
    %scan3A_7 = arith.constant 79 : i32
    %scan3A_8 = arith.addi %scan3A_6, %scan3A_7 : i32
    %scan3A_9 = arith.constant 1 : i32
    scf.for %scan3A_16 = %scan3A_6 to %scan3A_8 step %scan3A_9  : i32 {
      %rem3A = arith.constant 2 : i32
      %rem3A_17 = arith.remsi %scan3A_16, %rem3A : i32
      %gt3A = arith.constant 0 : i32
      %gt3A_18 = arith.cmpi sgt, %scan3A_16, %gt3A : i32
      %convert_element_type3A = arith.extui %gt3A_18 : i1 to i32
      %cond3A = arith.constant 0 : i32
      %cond3A_19 = arith.cmpi ne, %convert_element_type3A, %cond3A : i32
      scf.if %cond3A_19 {
        %dma_wait3A_136 = arith.constant 0 : i32
        %dma_wait3A_137 = arith.constant 0 : i32
        %dma_wait3A_138 = tpu.memref_slice %arg5[%rem3A_17, %dma_wait3A_136, %dma_wait3A_137] : memref<2x8x64xi32, #tpu.memory_space<vmem>> -> memref<1x8x64xi32, #tpu.memory_space<vmem>>
        %dma_wait3A_139 = tpu.memref_squeeze %dma_wait3A_138 : memref<1x8x64xi32, #tpu.memory_space<vmem>> -> memref<8x64xi32, #tpu.memory_space<vmem>>
        %dma_wait3A_140 = arith.constant 0 : i32
        %dma_wait3A_141 = arith.constant 0 : i32
        %dma_wait3A_142 = tpu.memref_slice %arg3[%arg0, %arg1, %scan3A_16, %dma_wait3A_140, %dma_wait3A_141] : memref<2x16x79x8x64xi32, #tpu.memory_space<hbm>> -> memref<1x1x1x8x64xi32, #tpu.memory_space<hbm>>
        %dma_wait3A_143 = tpu.memref_squeeze %dma_wait3A_142 : memref<1x1x1x8x64xi32, #tpu.memory_space<hbm>> -> memref<8x64xi32, #tpu.memory_space<hbm>>
        %dma_wait3A_144 = arith.constant 0 : i32
        %dma_wait3A_145 = arith.constant 0 : i32
        %dma_wait3A_146 = tpu.memref_slice %arg5[%rem3A_17, %dma_wait3A_144, %dma_wait3A_145] : memref<2x8x64xi32, #tpu.memory_space<vmem>> -> memref<1x8x64xi32, #tpu.memory_space<vmem>>
        %dma_wait3A_147 = tpu.memref_squeeze %dma_wait3A_146 : memref<1x8x64xi32, #tpu.memory_space<vmem>> -> memref<8x64xi32, #tpu.memory_space<vmem>>
        %dma_wait3A_148 = arith.constant 0 : i32
        %dma_wait3A_149 = arith.constant 0 : i32
        %dma_wait3A_150 = tpu.memref_slice %arg3[%arg0, %arg1, %scan3A_16, %dma_wait3A_148, %dma_wait3A_149] : memref<2x16x79x8x64xi32, #tpu.memory_space<hbm>> -> memref<1x1x1x8x64xi32, #tpu.memory_space<hbm>>
        %dma_wait3A_151 = tpu.memref_squeeze %dma_wait3A_150 : memref<1x1x1x8x64xi32, #tpu.memory_space<hbm>> -> memref<8x64xi32, #tpu.memory_space<hbm>>
        tpu.wait_dma2 semaphore(%arg19 : memref<!tpu.dma_semaphore, #tpu.memory_space<semaphore_mem>>) src(%dma_wait3A_151 : memref<8x64xi32, #tpu.memory_space<hbm>>) dst(%dma_wait3A_147 : memref<8x64xi32, #tpu.memory_space<vmem>>)
      } else {
      }
      %dma_start3A = arith.constant 0 : i32
      %dma_start3A_20 = arith.constant 0 : i32
      %dma_start3A_21 = tpu.memref_slice %arg5[%rem3A_17, %dma_start3A, %dma_start3A_20] : memref<2x8x64xi32, #tpu.memory_space<vmem>> -> memref<1x1x64xi32, #tpu.memory_space<vmem>>
      %dma_start3A_22 = tpu.memref_squeeze %dma_start3A_21 : memref<1x1x64xi32, #tpu.memory_space<vmem>> -> memref<64xi32, #tpu.memory_space<vmem>>
      %dma_start3A_23 = arith.constant 0 : i32
      %dma_start3A_24 = arith.constant 0 : i32
      %dma_start3A_25 = tpu.memref_slice %arg2[%dma_start3A_23, %dma_start3A_24] : memref<20480x128xf32, #tpu.memory_space<hbm>> -> memref<20480x128xf32, #tpu.memory_space<hbm>>
      tpu.enqueue_indirect_dma source(%dma_start3A_25 : memref<20480x128xf32, #tpu.memory_space<hbm>>) target(%arg6 : memref<64x128xf32, #tpu.memory_space<vmem>>) offsets(%dma_start3A_22 : memref<64xi32, #tpu.memory_space<vmem>>) semaphore(%arg11 : memref<!tpu.dma_semaphore, #tpu.memory_space<semaphore_mem>>)
      %dma_start3A_26 = arith.constant 1 : i32
      %dma_start3A_27 = arith.constant 0 : i32
      %dma_start3A_28 = tpu.memref_slice %arg5[%rem3A_17, %dma_start3A_26, %dma_start3A_27] : memref<2x8x64xi32, #tpu.memory_space<vmem>> -> memref<1x1x64xi32, #tpu.memory_space<vmem>>
      %dma_start3A_29 = tpu.memref_squeeze %dma_start3A_28 : memref<1x1x64xi32, #tpu.memory_space<vmem>> -> memref<64xi32, #tpu.memory_space<vmem>>
      %dma_start3A_30 = arith.constant 0 : i32
      %dma_start3A_31 = arith.constant 0 : i32
      %dma_start3A_32 = tpu.memref_slice %arg2[%dma_start3A_30, %dma_start3A_31] : memref<20480x128xf32, #tpu.memory_space<hbm>> -> memref<20480x128xf32, #tpu.memory_space<hbm>>
      tpu.enqueue_indirect_dma source(%dma_start3A_32 : memref<20480x128xf32, #tpu.memory_space<hbm>>) target(%arg7 : memref<64x128xf32, #tpu.memory_space<vmem>>) offsets(%dma_start3A_29 : memref<64xi32, #tpu.memory_space<vmem>>) semaphore(%arg12 : memref<!tpu.dma_semaphore, #tpu.memory_space<semaphore_mem>>)
      %dma_start3A_33 = arith.constant 2 : i32
      %dma_start3A_34 = arith.constant 0 : i32
      %dma_start3A_35 = tpu.memref_slice %arg5[%rem3A_17, %dma_start3A_33, %dma_start3A_34] : memref<2x8x64xi32, #tpu.memory_space<vmem>> -> memref<1x1x64xi32, #tpu.memory_space<vmem>>
      %dma_start3A_36 = tpu.memref_squeeze %dma_start3A_35 : memref<1x1x64xi32, #tpu.memory_space<vmem>> -> memref<64xi32, #tpu.memory_space<vmem>>
      %dma_start3A_37 = arith.constant 0 : i32
      %dma_start3A_38 = arith.constant 0 : i32
      %dma_start3A_39 = tpu.memref_slice %arg2[%dma_start3A_37, %dma_start3A_38] : memref<20480x128xf32, #tpu.memory_space<hbm>> -> memref<20480x128xf32, #tpu.memory_space<hbm>>
      tpu.enqueue_indirect_dma source(%dma_start3A_39 : memref<20480x128xf32, #tpu.memory_space<hbm>>) target(%arg8 : memref<64x128xf32, #tpu.memory_space<vmem>>) offsets(%dma_start3A_36 : memref<64xi32, #tpu.memory_space<vmem>>) semaphore(%arg13 : memref<!tpu.dma_semaphore, #tpu.memory_space<semaphore_mem>>)
      %dma_start3A_40 = arith.constant 3 : i32
      %dma_start3A_41 = arith.constant 0 : i32
      %dma_start3A_42 = tpu.memref_slice %arg5[%rem3A_17, %dma_start3A_40, %dma_start3A_41] : memref<2x8x64xi32, #tpu.memory_space<vmem>> -> memref<1x1x64xi32, #tpu.memory_space<vmem>>
      %dma_start3A_43 = tpu.memref_squeeze %dma_start3A_42 : memref<1x1x64xi32, #tpu.memory_space<vmem>> -> memref<64xi32, #tpu.memory_space<vmem>>
      %dma_start3A_44 = arith.constant 0 : i32
      %dma_start3A_45 = arith.constant 0 : i32
      %dma_start3A_46 = tpu.memref_slice %arg2[%dma_start3A_44, %dma_start3A_45] : memref<20480x128xf32, #tpu.memory_space<hbm>> -> memref<20480x128xf32, #tpu.memory_space<hbm>>
      tpu.enqueue_indirect_dma source(%dma_start3A_46 : memref<20480x128xf32, #tpu.memory_space<hbm>>) target(%arg9 : memref<64x128xf32, #tpu.memory_space<vmem>>) offsets(%dma_start3A_43 : memref<64xi32, #tpu.memory_space<vmem>>) semaphore(%arg14 : memref<!tpu.dma_semaphore, #tpu.memory_space<semaphore_mem>>)
      %add3A_47 = arith.constant 1 : i32
      %add3A_48 = arith.addi %scan3A_16, %add3A_47 : i32
      %lt3A = arith.constant 79 : i32
      %lt3A_49 = arith.cmpi slt, %add3A_48, %lt3A : i32
      %convert_element_type3A_50 = arith.extui %lt3A_49 : i1 to i32
      %cond3A_51 = arith.constant 0 : i32
      %cond3A_52 = arith.cmpi ne, %convert_element_type3A_50, %cond3A_51 : i32
      scf.if %cond3A_52 {
        %add3A_136 = arith.constant 1 : i32
        %add3A_137 = arith.addi %scan3A_16, %add3A_136 : i32
        %sub3A = arith.constant 1 : i32
        %sub3A_138 = arith.subi %sub3A, %rem3A_17 : i32
        %dma_start3A_139 = arith.constant 0 : i32
        %dma_start3A_140 = arith.constant 0 : i32
        %dma_start3A_141 = tpu.memref_slice %arg5[%sub3A_138, %dma_start3A_139, %dma_start3A_140] : memref<2x8x64xi32, #tpu.memory_space<vmem>> -> memref<1x8x64xi32, #tpu.memory_space<vmem>>
        %dma_start3A_142 = tpu.memref_squeeze %dma_start3A_141 : memref<1x8x64xi32, #tpu.memory_space<vmem>> -> memref<8x64xi32, #tpu.memory_space<vmem>>
        %dma_start3A_143 = arith.constant 0 : i32
        %dma_start3A_144 = arith.constant 0 : i32
        %dma_start3A_145 = tpu.memref_slice %arg3[%arg0, %arg1, %add3A_137, %dma_start3A_143, %dma_start3A_144] : memref<2x16x79x8x64xi32, #tpu.memory_space<hbm>> -> memref<1x1x1x8x64xi32, #tpu.memory_space<hbm>>
        %dma_start3A_146 = tpu.memref_squeeze %dma_start3A_145 : memref<1x1x1x8x64xi32, #tpu.memory_space<hbm>> -> memref<8x64xi32, #tpu.memory_space<hbm>>
        %dma_start3A_147 = arith.constant 0 : i32
        %dma_start3A_148 = arith.constant 0 : i32
        %dma_start3A_149 = tpu.memref_slice %arg5[%sub3A_138, %dma_start3A_147, %dma_start3A_148] : memref<2x8x64xi32, #tpu.memory_space<vmem>> -> memref<1x8x64xi32, #tpu.memory_space<vmem>>
        %dma_start3A_150 = tpu.memref_squeeze %dma_start3A_149 : memref<1x8x64xi32, #tpu.memory_space<vmem>> -> memref<8x64xi32, #tpu.memory_space<vmem>>
        %dma_start3A_151 = arith.constant 0 : i32
        %dma_start3A_152 = arith.constant 0 : i32
        %dma_start3A_153 = tpu.memref_slice %arg3[%arg0, %arg1, %add3A_137, %dma_start3A_151, %dma_start3A_152] : memref<2x16x79x8x64xi32, #tpu.memory_space<hbm>> -> memref<1x1x1x8x64xi32, #tpu.memory_space<hbm>>
        %dma_start3A_154 = tpu.memref_squeeze %dma_start3A_153 : memref<1x1x1x8x64xi32, #tpu.memory_space<hbm>> -> memref<8x64xi32, #tpu.memory_space<hbm>>
        tpu.enqueue_dma source(%dma_start3A_154 : memref<8x64xi32, #tpu.memory_space<hbm>>) target(%dma_start3A_150 : memref<8x64xi32, #tpu.memory_space<vmem>>) target_semaphore(%arg19 : memref<!tpu.dma_semaphore, #tpu.memory_space<semaphore_mem>>)
      } else {
      }
      %dma_wait3A = arith.constant 0 : i32
      %dma_wait3A_53 = arith.constant 0 : i32
      %dma_wait3A_54 = tpu.memref_slice %arg5[%rem3A_17, %dma_wait3A, %dma_wait3A_53] : memref<2x8x64xi32, #tpu.memory_space<vmem>> -> memref<1x1x64xi32, #tpu.memory_space<vmem>>
      %dma_wait3A_55 = tpu.memref_squeeze %dma_wait3A_54 : memref<1x1x64xi32, #tpu.memory_space<vmem>> -> memref<64xi32, #tpu.memory_space<vmem>>
      %dma_wait3A_56 = arith.constant 0 : i32
      %dma_wait3A_57 = arith.constant 0 : i32
      %dma_wait3A_58 = tpu.memref_slice %arg2[%dma_wait3A_56, %dma_wait3A_57] : memref<20480x128xf32, #tpu.memory_space<hbm>> -> memref<20480x128xf32, #tpu.memory_space<hbm>>
      tpu.wait_indirect_dma semaphore(%arg11 : memref<!tpu.dma_semaphore, #tpu.memory_space<semaphore_mem>>) src(%dma_wait3A_58 : memref<20480x128xf32, #tpu.memory_space<hbm>>) dst(%arg6 : memref<64x128xf32, #tpu.memory_space<vmem>>)
      %dma_start3A_59 = arith.constant 4 : i32
      %dma_start3A_60 = arith.constant 0 : i32
      %dma_start3A_61 = tpu.memref_slice %arg5[%rem3A_17, %dma_start3A_59, %dma_start3A_60] : memref<2x8x64xi32, #tpu.memory_space<vmem>> -> memref<1x1x64xi32, #tpu.memory_space<vmem>>
      %dma_start3A_62 = tpu.memref_squeeze %dma_start3A_61 : memref<1x1x64xi32, #tpu.memory_space<vmem>> -> memref<64xi32, #tpu.memory_space<vmem>>
      %dma_start3A_63 = arith.constant 0 : i32
      %dma_start3A_64 = arith.constant 0 : i32
      %dma_start3A_65 = tpu.memref_slice %arg10[%dma_start3A_63, %dma_start3A_64] : memref<10240x128xf32, #tpu.memory_space<vmem_shared>> -> memref<10240x128xf32, #tpu.memory_space<vmem_shared>>
      tpu.enqueue_indirect_dma source(%arg6 : memref<64x128xf32, #tpu.memory_space<vmem>>) target(%dma_start3A_65 : memref<10240x128xf32, #tpu.memory_space<vmem_shared>>) offsets(%dma_start3A_62 : memref<64xi32, #tpu.memory_space<vmem>>) semaphore(%arg15 : memref<!tpu.dma_semaphore, #tpu.memory_space<semaphore_mem>>) {add = true}
      %dma_wait3A_66 = arith.constant 1 : i32
      %dma_wait3A_67 = arith.constant 0 : i32
      %dma_wait3A_68 = tpu.memref_slice %arg5[%rem3A_17, %dma_wait3A_66, %dma_wait3A_67] : memref<2x8x64xi32, #tpu.memory_space<vmem>> -> memref<1x1x64xi32, #tpu.memory_space<vmem>>
      %dma_wait3A_69 = tpu.memref_squeeze %dma_wait3A_68 : memref<1x1x64xi32, #tpu.memory_space<vmem>> -> memref<64xi32, #tpu.memory_space<vmem>>
      %dma_wait3A_70 = arith.constant 0 : i32
      %dma_wait3A_71 = arith.constant 0 : i32
      %dma_wait3A_72 = tpu.memref_slice %arg2[%dma_wait3A_70, %dma_wait3A_71] : memref<20480x128xf32, #tpu.memory_space<hbm>> -> memref<20480x128xf32, #tpu.memory_space<hbm>>
      tpu.wait_indirect_dma semaphore(%arg12 : memref<!tpu.dma_semaphore, #tpu.memory_space<semaphore_mem>>) src(%dma_wait3A_72 : memref<20480x128xf32, #tpu.memory_space<hbm>>) dst(%arg7 : memref<64x128xf32, #tpu.memory_space<vmem>>)
      %dma_start3A_73 = arith.constant 5 : i32
      %dma_start3A_74 = arith.constant 0 : i32
      %dma_start3A_75 = tpu.memref_slice %arg5[%rem3A_17, %dma_start3A_73, %dma_start3A_74] : memref<2x8x64xi32, #tpu.memory_space<vmem>> -> memref<1x1x64xi32, #tpu.memory_space<vmem>>
      %dma_start3A_76 = tpu.memref_squeeze %dma_start3A_75 : memref<1x1x64xi32, #tpu.memory_space<vmem>> -> memref<64xi32, #tpu.memory_space<vmem>>
      %dma_start3A_77 = arith.constant 0 : i32
      %dma_start3A_78 = arith.constant 0 : i32
      %dma_start3A_79 = tpu.memref_slice %arg10[%dma_start3A_77, %dma_start3A_78] : memref<10240x128xf32, #tpu.memory_space<vmem_shared>> -> memref<10240x128xf32, #tpu.memory_space<vmem_shared>>
      tpu.enqueue_indirect_dma source(%arg7 : memref<64x128xf32, #tpu.memory_space<vmem>>) target(%dma_start3A_79 : memref<10240x128xf32, #tpu.memory_space<vmem_shared>>) offsets(%dma_start3A_76 : memref<64xi32, #tpu.memory_space<vmem>>) semaphore(%arg16 : memref<!tpu.dma_semaphore, #tpu.memory_space<semaphore_mem>>) {add = true}
      %dma_wait3A_80 = arith.constant 2 : i32
      %dma_wait3A_81 = arith.constant 0 : i32
      %dma_wait3A_82 = tpu.memref_slice %arg5[%rem3A_17, %dma_wait3A_80, %dma_wait3A_81] : memref<2x8x64xi32, #tpu.memory_space<vmem>> -> memref<1x1x64xi32, #tpu.memory_space<vmem>>
      %dma_wait3A_83 = tpu.memref_squeeze %dma_wait3A_82 : memref<1x1x64xi32, #tpu.memory_space<vmem>> -> memref<64xi32, #tpu.memory_space<vmem>>
      %dma_wait3A_84 = arith.constant 0 : i32
      %dma_wait3A_85 = arith.constant 0 : i32
      %dma_wait3A_86 = tpu.memref_slice %arg2[%dma_wait3A_84, %dma_wait3A_85] : memref<20480x128xf32, #tpu.memory_space<hbm>> -> memref<20480x128xf32, #tpu.memory_space<hbm>>
      tpu.wait_indirect_dma semaphore(%arg13 : memref<!tpu.dma_semaphore, #tpu.memory_space<semaphore_mem>>) src(%dma_wait3A_86 : memref<20480x128xf32, #tpu.memory_space<hbm>>) dst(%arg8 : memref<64x128xf32, #tpu.memory_space<vmem>>)
      %dma_start3A_87 = arith.constant 6 : i32
      %dma_start3A_88 = arith.constant 0 : i32
      %dma_start3A_89 = tpu.memref_slice %arg5[%rem3A_17, %dma_start3A_87, %dma_start3A_88] : memref<2x8x64xi32, #tpu.memory_space<vmem>> -> memref<1x1x64xi32, #tpu.memory_space<vmem>>
      %dma_start3A_90 = tpu.memref_squeeze %dma_start3A_89 : memref<1x1x64xi32, #tpu.memory_space<vmem>> -> memref<64xi32, #tpu.memory_space<vmem>>
      %dma_start3A_91 = arith.constant 0 : i32
      %dma_start3A_92 = arith.constant 0 : i32
      %dma_start3A_93 = tpu.memref_slice %arg10[%dma_start3A_91, %dma_start3A_92] : memref<10240x128xf32, #tpu.memory_space<vmem_shared>> -> memref<10240x128xf32, #tpu.memory_space<vmem_shared>>
      tpu.enqueue_indirect_dma source(%arg8 : memref<64x128xf32, #tpu.memory_space<vmem>>) target(%dma_start3A_93 : memref<10240x128xf32, #tpu.memory_space<vmem_shared>>) offsets(%dma_start3A_90 : memref<64xi32, #tpu.memory_space<vmem>>) semaphore(%arg17 : memref<!tpu.dma_semaphore, #tpu.memory_space<semaphore_mem>>) {add = true}
      %dma_wait3A_94 = arith.constant 3 : i32
      %dma_wait3A_95 = arith.constant 0 : i32
      %dma_wait3A_96 = tpu.memref_slice %arg5[%rem3A_17, %dma_wait3A_94, %dma_wait3A_95] : memref<2x8x64xi32, #tpu.memory_space<vmem>> -> memref<1x1x64xi32, #tpu.memory_space<vmem>>
      %dma_wait3A_97 = tpu.memref_squeeze %dma_wait3A_96 : memref<1x1x64xi32, #tpu.memory_space<vmem>> -> memref<64xi32, #tpu.memory_space<vmem>>
      %dma_wait3A_98 = arith.constant 0 : i32
      %dma_wait3A_99 = arith.constant 0 : i32
      %dma_wait3A_100 = tpu.memref_slice %arg2[%dma_wait3A_98, %dma_wait3A_99] : memref<20480x128xf32, #tpu.memory_space<hbm>> -> memref<20480x128xf32, #tpu.memory_space<hbm>>
      tpu.wait_indirect_dma semaphore(%arg14 : memref<!tpu.dma_semaphore, #tpu.memory_space<semaphore_mem>>) src(%dma_wait3A_100 : memref<20480x128xf32, #tpu.memory_space<hbm>>) dst(%arg9 : memref<64x128xf32, #tpu.memory_space<vmem>>)
      %dma_start3A_101 = arith.constant 7 : i32
      %dma_start3A_102 = arith.constant 0 : i32
      %dma_start3A_103 = tpu.memref_slice %arg5[%rem3A_17, %dma_start3A_101, %dma_start3A_102] : memref<2x8x64xi32, #tpu.memory_space<vmem>> -> memref<1x1x64xi32, #tpu.memory_space<vmem>>
      %dma_start3A_104 = tpu.memref_squeeze %dma_start3A_103 : memref<1x1x64xi32, #tpu.memory_space<vmem>> -> memref<64xi32, #tpu.memory_space<vmem>>
      %dma_start3A_105 = arith.constant 0 : i32
      %dma_start3A_106 = arith.constant 0 : i32
      %dma_start3A_107 = tpu.memref_slice %arg10[%dma_start3A_105, %dma_start3A_106] : memref<10240x128xf32, #tpu.memory_space<vmem_shared>> -> memref<10240x128xf32, #tpu.memory_space<vmem_shared>>
      tpu.enqueue_indirect_dma source(%arg9 : memref<64x128xf32, #tpu.memory_space<vmem>>) target(%dma_start3A_107 : memref<10240x128xf32, #tpu.memory_space<vmem_shared>>) offsets(%dma_start3A_104 : memref<64xi32, #tpu.memory_space<vmem>>) semaphore(%arg18 : memref<!tpu.dma_semaphore, #tpu.memory_space<semaphore_mem>>) {add = true}
      %dma_wait3A_108 = arith.constant 4 : i32
      %dma_wait3A_109 = arith.constant 0 : i32
      %dma_wait3A_110 = tpu.memref_slice %arg5[%rem3A_17, %dma_wait3A_108, %dma_wait3A_109] : memref<2x8x64xi32, #tpu.memory_space<vmem>> -> memref<1x1x64xi32, #tpu.memory_space<vmem>>
      %dma_wait3A_111 = tpu.memref_squeeze %dma_wait3A_110 : memref<1x1x64xi32, #tpu.memory_space<vmem>> -> memref<64xi32, #tpu.memory_space<vmem>>
      %dma_wait3A_112 = arith.constant 0 : i32
      %dma_wait3A_113 = arith.constant 0 : i32
      %dma_wait3A_114 = tpu.memref_slice %arg10[%dma_wait3A_112, %dma_wait3A_113] : memref<10240x128xf32, #tpu.memory_space<vmem_shared>> -> memref<10240x128xf32, #tpu.memory_space<vmem_shared>>
      tpu.wait_indirect_dma semaphore(%arg15 : memref<!tpu.dma_semaphore, #tpu.memory_space<semaphore_mem>>) src(%arg6 : memref<64x128xf32, #tpu.memory_space<vmem>>) dst(%dma_wait3A_114 : memref<10240x128xf32, #tpu.memory_space<vmem_shared>>)
      %dma_wait3A_115 = arith.constant 5 : i32
      %dma_wait3A_116 = arith.constant 0 : i32
      %dma_wait3A_117 = tpu.memref_slice %arg5[%rem3A_17, %dma_wait3A_115, %dma_wait3A_116] : memref<2x8x64xi32, #tpu.memory_space<vmem>> -> memref<1x1x64xi32, #tpu.memory_space<vmem>>
      %dma_wait3A_118 = tpu.memref_squeeze %dma_wait3A_117 : memref<1x1x64xi32, #tpu.memory_space<vmem>> -> memref<64xi32, #tpu.memory_space<vmem>>
      %dma_wait3A_119 = arith.constant 0 : i32
      %dma_wait3A_120 = arith.constant 0 : i32
      %dma_wait3A_121 = tpu.memref_slice %arg10[%dma_wait3A_119, %dma_wait3A_120] : memref<10240x128xf32, #tpu.memory_space<vmem_shared>> -> memref<10240x128xf32, #tpu.memory_space<vmem_shared>>
      tpu.wait_indirect_dma semaphore(%arg16 : memref<!tpu.dma_semaphore, #tpu.memory_space<semaphore_mem>>) src(%arg7 : memref<64x128xf32, #tpu.memory_space<vmem>>) dst(%dma_wait3A_121 : memref<10240x128xf32, #tpu.memory_space<vmem_shared>>)
      %dma_wait3A_122 = arith.constant 6 : i32
      %dma_wait3A_123 = arith.constant 0 : i32
      %dma_wait3A_124 = tpu.memref_slice %arg5[%rem3A_17, %dma_wait3A_122, %dma_wait3A_123] : memref<2x8x64xi32, #tpu.memory_space<vmem>> -> memref<1x1x64xi32, #tpu.memory_space<vmem>>
      %dma_wait3A_125 = tpu.memref_squeeze %dma_wait3A_124 : memref<1x1x64xi32, #tpu.memory_space<vmem>> -> memref<64xi32, #tpu.memory_space<vmem>>
      %dma_wait3A_126 = arith.constant 0 : i32
      %dma_wait3A_127 = arith.constant 0 : i32
      %dma_wait3A_128 = tpu.memref_slice %arg10[%dma_wait3A_126, %dma_wait3A_127] : memref<10240x128xf32, #tpu.memory_space<vmem_shared>> -> memref<10240x128xf32, #tpu.memory_space<vmem_shared>>
      tpu.wait_indirect_dma semaphore(%arg17 : memref<!tpu.dma_semaphore, #tpu.memory_space<semaphore_mem>>) src(%arg8 : memref<64x128xf32, #tpu.memory_space<vmem>>) dst(%dma_wait3A_128 : memref<10240x128xf32, #tpu.memory_space<vmem_shared>>)
      %dma_wait3A_129 = arith.constant 7 : i32
      %dma_wait3A_130 = arith.constant 0 : i32
      %dma_wait3A_131 = tpu.memref_slice %arg5[%rem3A_17, %dma_wait3A_129, %dma_wait3A_130] : memref<2x8x64xi32, #tpu.memory_space<vmem>> -> memref<1x1x64xi32, #tpu.memory_space<vmem>>
      %dma_wait3A_132 = tpu.memref_squeeze %dma_wait3A_131 : memref<1x1x64xi32, #tpu.memory_space<vmem>> -> memref<64xi32, #tpu.memory_space<vmem>>
      %dma_wait3A_133 = arith.constant 0 : i32
      %dma_wait3A_134 = arith.constant 0 : i32
      %dma_wait3A_135 = tpu.memref_slice %arg10[%dma_wait3A_133, %dma_wait3A_134] : memref<10240x128xf32, #tpu.memory_space<vmem_shared>> -> memref<10240x128xf32, #tpu.memory_space<vmem_shared>>
      tpu.wait_indirect_dma semaphore(%arg18 : memref<!tpu.dma_semaphore, #tpu.memory_space<semaphore_mem>>) src(%arg9 : memref<64x128xf32, #tpu.memory_space<vmem>>) dst(%dma_wait3A_135 : memref<10240x128xf32, #tpu.memory_space<vmem_shared>>)
    }
    %scan3A_10 = arith.constant 79 : i32
    %barrier3A_11 = arith.constant 0 : index
    tpu.barrier barrier_id(%barrier3A_11)
    %mul3A_12 = arith.constant 640 : i32
    %mul3A_13 = arith.muli %arg1, %mul3A_12 : i32
    %mul3A_14 = arith.constant 640 : i32
    %mul3A_15 = arith.muli %arg1, %mul3A_14 : i32
    "tpu.region"() ({
      %run_scoped3A_16 = tpu.sem_alloc : memref<!tpu.dma_semaphore, #tpu.memory_space<semaphore_mem>>
      %dma_start3A = arith.constant 0 : i32
      %dma_start3A_17 = tpu.memref_slice %arg4[%arg0, %mul3A_15, %dma_start3A] : memref<2x10240x128xf32, #tpu.memory_space<hbm>> -> memref<1x640x128xf32, #tpu.memory_space<hbm>>
      %dma_start3A_18 = tpu.memref_squeeze %dma_start3A_17 : memref<1x640x128xf32, #tpu.memory_space<hbm>> -> memref<640x128xf32, #tpu.memory_space<hbm>>
      %dma_start3A_19 = arith.constant 0 : i32
      %dma_start3A_20 = tpu.memref_slice %arg10[%mul3A_13, %dma_start3A_19] : memref<10240x128xf32, #tpu.memory_space<vmem_shared>> -> memref<640x128xf32, #tpu.memory_space<vmem_shared>>
      tpu.enqueue_dma source(%dma_start3A_20 : memref<640x128xf32, #tpu.memory_space<vmem_shared>>) target(%dma_start3A_18 : memref<640x128xf32, #tpu.memory_space<hbm>>) target_semaphore(%run_scoped3A_16 : memref<!tpu.dma_semaphore, #tpu.memory_space<semaphore_mem>>)
      %dma_wait3A = arith.constant 0 : i32
      %dma_wait3A_21 = tpu.memref_slice %arg4[%arg0, %mul3A_15, %dma_wait3A] : memref<2x10240x128xf32, #tpu.memory_space<hbm>> -> memref<1x640x128xf32, #tpu.memory_space<hbm>>
      %dma_wait3A_22 = tpu.memref_squeeze %dma_wait3A_21 : memref<1x640x128xf32, #tpu.memory_space<hbm>> -> memref<640x128xf32, #tpu.memory_space<hbm>>
      %dma_wait3A_23 = arith.constant 0 : i32
      %dma_wait3A_24 = tpu.memref_slice %arg10[%mul3A_13, %dma_wait3A_23] : memref<10240x128xf32, #tpu.memory_space<vmem_shared>> -> memref<640x128xf32, #tpu.memory_space<vmem_shared>>
      tpu.wait_dma2 semaphore(%run_scoped3A_16 : memref<!tpu.dma_semaphore, #tpu.memory_space<semaphore_mem>>) src(%dma_wait3A_24 : memref<640x128xf32, #tpu.memory_space<vmem_shared>>) dst(%dma_wait3A_22 : memref<640x128xf32, #tpu.memory_space<hbm>>)
      tpu.yield
    }) : () -> ()
    return
  }
}

module attributes {stable_mosaic.version = 14 : i64} {
  func.func @_mm_body(%arg0: i32, %arg1: i32, %arg2: memref<1x640x128xf32, #tpu.memory_space<vmem>>, %arg3: memref<128x128xf32, #tpu.memory_space<vmem>>, %arg4: memref<1x640x128xf32, #tpu.memory_space<vmem>>) attributes {dimension_semantics = [#tpu.dimension_semantics<arbitrary>, #tpu.dimension_semantics<arbitrary>], iteration_bounds = array<i64: 2, 16>, scalar_prefetch = 0 : i64, scratch_operands = 0 : i64, tpu.core_type = #tpu.core_type<tc>, window_params = [{transform_indices = @transform_0, window_bounds = array<i64: 1, 640, 128>}, {pipeline_mode = #tpu.pipeline_mode<synchronous>, transform_indices = @transform_1, window_bounds = array<i64: 128, 128>}, {transform_indices = @transform_2, window_bounds = array<i64: 1, 640, 128>}]} {
    %get3A = arith.constant 0 : index
    %get3A_0 = arith.constant 0 : index
    %get3A_1 = arith.constant 0 : index
    %get3A_2 = vector.load %arg2[%get3A, %get3A_0, %get3A_1] : memref<1x640x128xf32, #tpu.memory_space<vmem>>, vector<1x640x128xf32>
    %get3A_3 = vector.shape_cast %get3A_2 : vector<1x640x128xf32> to vector<640x128xf32>
    %get3A_4 = arith.constant 0 : index
    %get3A_5 = arith.constant 0 : index
    %get3A_6 = vector.load %arg3[%get3A_4, %get3A_5] : memref<128x128xf32, #tpu.memory_space<vmem>>, vector<128x128xf32>
    %dot_general3A = arith.constant dense<0.000000e+00> : vector<640x128xf32>
    %dot_general3A_7 = tpu.matmul %get3A_3, %get3A_6, %dot_general3A {dimension_numbers = #tpu.dot_dimension_numbers<[1], [0], [0], [1], [0, 0, 1, 1], [], []>, transpose_lhs_hint = false} : vector<640x128xf32>, vector<128x128xf32>, vector<640x128xf32> -> vector<640x128xf32>
    %broadcast_in_dim3A = vector.shape_cast %dot_general3A_7 : vector<640x128xf32> to vector<1x640x128xf32>
    %swap3A = arith.constant 0 : index
    %swap3A_8 = arith.constant 0 : index
    %swap3A_9 = arith.constant 0 : index
    %swap3A_10 = vector.load %arg4[%swap3A, %swap3A_8, %swap3A_9] : memref<1x640x128xf32, #tpu.memory_space<vmem>>, vector<1x640x128xf32>
    tpu.vector_store %arg4[%swap3A, %swap3A_8, %swap3A_9], %broadcast_in_dim3A {strides = array<i32>} : memref<1x640x128xf32, #tpu.memory_space<vmem>>, vector<1x640x128xf32>,
    return
  }
  func.func @transform_0(%arg0: i32, %arg1: i32) -> (i32, i32, i32) {
    %c0_i32 = arith.constant 0 : i32
    %c0_i32_0 = arith.constant 0 : i32
    return %arg0, %arg1, %c0_i32 : i32, i32, i32
  }
  func.func @transform_1(%arg0: i32, %arg1: i32) -> (i32, i32) {
    %c0_i32 = arith.constant 0 : i32
    %c0_i32_0 = arith.constant 0 : i32
    %c0_i32_1 = arith.constant 0 : i32
    return %c0_i32, %c0_i32_0 : i32, i32
  }
  func.func @transform_2(%arg0: i32, %arg1: i32) -> (i32, i32, i32) {
    %c0_i32 = arith.constant 0 : i32
    %c0_i32_0 = arith.constant 0 : i32
    return %arg0, %arg1, %c0_i32 : i32, i32, i32
  }
}

module attributes {stable_mosaic.version = 14 : i64} {
  func.func @_psum_body(%arg0: i32, %arg1: memref<2x8x10240xf32, #tpu.memory_space<vmem>>, %arg2: memref<2x10240xf32, #tpu.memory_space<vmem>>) attributes {dimension_semantics = [#tpu.dimension_semantics<arbitrary>], iteration_bounds = array<i64: 2>, scalar_prefetch = 0 : i64, scratch_operands = 0 : i64, tpu.core_type = #tpu.core_type<tc>, window_params = [{transform_indices = @transform_0, window_bounds = array<i64: 2, 8, 10240>}, {pipeline_mode = #tpu.pipeline_mode<synchronous>, transform_indices = @transform_1, window_bounds = array<i64: 2, 10240>}]} {
    %eq3A = arith.constant 0 : i32
    %eq3A_0 = arith.cmpi eq, %arg0, %eq3A : i32
    %convert_element_type3A = arith.extui %eq3A_0 : i1 to i32
    %cond3A = arith.constant 0 : i32
    %cond3A_1 = arith.cmpi ne, %convert_element_type3A, %cond3A : i32
    scf.if %cond3A_1 {
      %broadcast_in_dim3A = arith.constant 0.000000e+00 : f32
      %broadcast_in_dim3A_16 = vector.broadcast %broadcast_in_dim3A : f32 to vector<2x10240xf32>
      %swap3A_17 = arith.constant 0 : index
      %swap3A_18 = arith.constant 0 : index
      %swap3A_19 = vector.load %arg2[%swap3A_17, %swap3A_18] : memref<2x10240xf32, #tpu.memory_space<vmem>>, vector<2x10240xf32>
      tpu.vector_store %arg2[%swap3A_17, %swap3A_18], %broadcast_in_dim3A_16 {strides = array<i32>} : memref<2x10240xf32, #tpu.memory_space<vmem>>, vector<2x10240xf32>,
    } else {
    }
    %get3A = arith.constant 0 : index
    %get3A_2 = arith.constant 0 : index
    %get3A_3 = vector.load %arg2[%get3A, %get3A_2] : memref<2x10240xf32, #tpu.memory_space<vmem>>, vector<2x10240xf32>
    %get3A_4 = arith.constant 0 : index
    %get3A_5 = arith.constant 0 : index
    %get3A_6 = arith.constant 0 : index
    %get3A_7 = vector.load %arg1[%get3A_4, %get3A_5, %get3A_6] : memref<2x8x10240xf32, #tpu.memory_space<vmem>>, vector<2x8x10240xf32>
    %reduce_sum3A = arith.constant dense<0.000000e+00> : vector<2x10240xf32>
    %reduce_sum3A_8 = vector.multi_reduction <add>, %get3A_7, %reduce_sum3A [1] : vector<2x8x10240xf32> to vector<2x10240xf32>
    %add3A = arith.addf %get3A_3, %reduce_sum3A_8 : vector<2x10240xf32>
    %swap3A = arith.constant 0 : index
    %swap3A_9 = arith.constant 0 : index
    %swap3A_10 = vector.load %arg2[%swap3A, %swap3A_9] : memref<2x10240xf32, #tpu.memory_space<vmem>>, vector<2x10240xf32>
    tpu.vector_store %arg2[%swap3A, %swap3A_9], %add3A {strides = array<i32>} : memref<2x10240xf32, #tpu.memory_space<vmem>>, vector<2x10240xf32>,
    %eq3A_11 = arith.constant 1 : i32
    %eq3A_12 = arith.cmpi eq, %arg0, %eq3A_11 : i32
    %convert_element_type3A_13 = arith.extui %eq3A_12 : i1 to i32
    %cond3A_14 = arith.constant 0 : i32
    %cond3A_15 = arith.cmpi ne, %convert_element_type3A_13, %cond3A_14 : i32
    scf.if %cond3A_15 {
      %get3A_16 = arith.constant 0 : index
      %get3A_17 = arith.constant 0 : index
      %get3A_18 = vector.load %arg2[%get3A_16, %get3A_17] : memref<2x10240xf32, #tpu.memory_space<vmem>>, vector<2x10240xf32>
      %add3A_19 = arith.constant 1.000000e+00 : f32
      %add3A_20 = vector.broadcast %add3A_19 : f32 to vector<2x10240xf32>
      %add3A_21 = arith.addf %get3A_18, %add3A_20 : vector<2x10240xf32>
      %rsqrt3A = math.rsqrt %add3A_21 : vector<2x10240xf32>
      %swap3A_22 = arith.constant 0 : index
      %swap3A_23 = arith.constant 0 : index
      %swap3A_24 = vector.load %arg2[%swap3A_22, %swap3A_23] : memref<2x10240xf32, #tpu.memory_space<vmem>>, vector<2x10240xf32>
      tpu.vector_store %arg2[%swap3A_22, %swap3A_23], %rsqrt3A {strides = array<i32>} : memref<2x10240xf32, #tpu.memory_space<vmem>>, vector<2x10240xf32>,
    } else {
    }
    return
  }
  func.func @transform_0(%arg0: i32) -> (i32, i32, i32) {
    %c0_i32 = arith.constant 0 : i32
    %c0_i32_0 = arith.constant 0 : i32
    %c0_i32_1 = arith.constant 0 : i32
    return %c0_i32, %arg0, %c0_i32_0 : i32, i32, i32
  }
  func.func @transform_1(%arg0: i32) -> (i32, i32) {
    %c0_i32 = arith.constant 0 : i32
    %c0_i32_0 = arith.constant 0 : i32
    %c0_i32_1 = arith.constant 0 : i32
    return %c0_i32, %c0_i32_0 : i32, i32
  }
}

module attributes {stable_mosaic.version = 14 : i64} {
  func.func @_psum_body(%arg0: i32, %arg1: memref<2x8x10240xf32, #tpu.memory_space<vmem>>, %arg2: memref<2x10240xf32, #tpu.memory_space<vmem>>) attributes {dimension_semantics = [#tpu.dimension_semantics<arbitrary>], iteration_bounds = array<i64: 2>, scalar_prefetch = 0 : i64, scratch_operands = 0 : i64, tpu.core_type = #tpu.core_type<tc>, window_params = [{transform_indices = @transform_0, window_bounds = array<i64: 2, 8, 10240>}, {pipeline_mode = #tpu.pipeline_mode<synchronous>, transform_indices = @transform_1, window_bounds = array<i64: 2, 10240>}]} {
    %eq3A = arith.constant 0 : i32
    %eq3A_0 = arith.cmpi eq, %arg0, %eq3A : i32
    %convert_element_type3A = arith.extui %eq3A_0 : i1 to i32
    %cond3A = arith.constant 0 : i32
    %cond3A_1 = arith.cmpi ne, %convert_element_type3A, %cond3A : i32
    scf.if %cond3A_1 {
      %broadcast_in_dim3A = arith.constant 0.000000e+00 : f32
      %broadcast_in_dim3A_11 = vector.broadcast %broadcast_in_dim3A : f32 to vector<2x10240xf32>
      %swap3A_12 = arith.constant 0 : index
      %swap3A_13 = arith.constant 0 : index
      %swap3A_14 = vector.load %arg2[%swap3A_12, %swap3A_13] : memref<2x10240xf32, #tpu.memory_space<vmem>>, vector<2x10240xf32>
      tpu.vector_store %arg2[%swap3A_12, %swap3A_13], %broadcast_in_dim3A_11 {strides = array<i32>} : memref<2x10240xf32, #tpu.memory_space<vmem>>, vector<2x10240xf32>,
    } else {
    }
    %get3A = arith.constant 0 : index
    %get3A_2 = arith.constant 0 : index
    %get3A_3 = vector.load %arg2[%get3A, %get3A_2] : memref<2x10240xf32, #tpu.memory_space<vmem>>, vector<2x10240xf32>
    %get3A_4 = arith.constant 0 : index
    %get3A_5 = arith.constant 0 : index
    %get3A_6 = arith.constant 0 : index
    %get3A_7 = vector.load %arg1[%get3A_4, %get3A_5, %get3A_6] : memref<2x8x10240xf32, #tpu.memory_space<vmem>>, vector<2x8x10240xf32>
    %reduce_sum3A = arith.constant dense<0.000000e+00> : vector<2x10240xf32>
    %reduce_sum3A_8 = vector.multi_reduction <add>, %get3A_7, %reduce_sum3A [1] : vector<2x8x10240xf32> to vector<2x10240xf32>
    %add3A = arith.addf %get3A_3, %reduce_sum3A_8 : vector<2x10240xf32>
    %swap3A = arith.constant 0 : index
    %swap3A_9 = arith.constant 0 : index
    %swap3A_10 = vector.load %arg2[%swap3A, %swap3A_9] : memref<2x10240xf32, #tpu.memory_space<vmem>>, vector<2x10240xf32>
    tpu.vector_store %arg2[%swap3A, %swap3A_9], %add3A {strides = array<i32>} : memref<2x10240xf32, #tpu.memory_space<vmem>>, vector<2x10240xf32>,
    return
  }
  func.func @transform_0(%arg0: i32) -> (i32, i32, i32) {
    %c0_i32 = arith.constant 0 : i32
    %c0_i32_0 = arith.constant 0 : i32
    %c0_i32_1 = arith.constant 0 : i32
    return %c0_i32, %arg0, %c0_i32_0 : i32, i32, i32
  }
  func.func @transform_1(%arg0: i32) -> (i32, i32) {
    %c0_i32 = arith.constant 0 : i32
    %c0_i32_0 = arith.constant 0 : i32
    %c0_i32_1 = arith.constant 0 : i32
    return %c0_i32, %c0_i32_0 : i32, i32
  }
}

module attributes {stable_mosaic.version = 14 : i64} {
  func.func @_reduce_body(%arg0: i32, %arg1: memref<2x640x128xf32, #tpu.memory_space<vmem>>, %arg2: memref<2x128xf32, #tpu.memory_space<vmem>>) attributes {dimension_semantics = [#tpu.dimension_semantics<arbitrary>], iteration_bounds = array<i64: 16>, scalar_prefetch = 0 : i64, scratch_operands = 0 : i64, tpu.core_type = #tpu.core_type<tc>, window_params = [{transform_indices = @transform_0, window_bounds = array<i64: 2, 640, 128>}, {pipeline_mode = #tpu.pipeline_mode<synchronous>, transform_indices = @transform_1, window_bounds = array<i64: 2, 128>}]} {
    %eq3A = arith.constant 0 : i32
    %eq3A_0 = arith.cmpi eq, %arg0, %eq3A : i32
    %convert_element_type3A = arith.extui %eq3A_0 : i1 to i32
    %cond3A = arith.constant 0 : i32
    %cond3A_1 = arith.cmpi ne, %convert_element_type3A, %cond3A : i32
    scf.if %cond3A_1 {
      %broadcast_in_dim3A = arith.constant 0.000000e+00 : f32
      %broadcast_in_dim3A_11 = vector.broadcast %broadcast_in_dim3A : f32 to vector<2x128xf32>
      %swap3A_12 = arith.constant 0 : index
      %swap3A_13 = arith.constant 0 : index
      %swap3A_14 = vector.load %arg2[%swap3A_12, %swap3A_13] : memref<2x128xf32, #tpu.memory_space<vmem>>, vector<2x128xf32>
      tpu.vector_store %arg2[%swap3A_12, %swap3A_13], %broadcast_in_dim3A_11 {strides = array<i32>} : memref<2x128xf32, #tpu.memory_space<vmem>>, vector<2x128xf32>,
    } else {
    }
    %get3A = arith.constant 0 : index
    %get3A_2 = arith.constant 0 : index
    %get3A_3 = vector.load %arg2[%get3A, %get3A_2] : memref<2x128xf32, #tpu.memory_space<vmem>>, vector<2x128xf32>
    %get3A_4 = arith.constant 0 : index
    %get3A_5 = arith.constant 0 : index
    %get3A_6 = arith.constant 0 : index
    %get3A_7 = vector.load %arg1[%get3A_4, %get3A_5, %get3A_6] : memref<2x640x128xf32, #tpu.memory_space<vmem>>, vector<2x640x128xf32>
    %reduce_sum3A = arith.constant dense<0.000000e+00> : vector<2x128xf32>
    %reduce_sum3A_8 = vector.multi_reduction <add>, %get3A_7, %reduce_sum3A [1] : vector<2x640x128xf32> to vector<2x128xf32>
    %add3A = arith.addf %get3A_3, %reduce_sum3A_8 : vector<2x128xf32>
    %swap3A = arith.constant 0 : index
    %swap3A_9 = arith.constant 0 : index
    %swap3A_10 = vector.load %arg2[%swap3A, %swap3A_9] : memref<2x128xf32, #tpu.memory_space<vmem>>, vector<2x128xf32>
    tpu.vector_store %arg2[%swap3A, %swap3A_9], %add3A {strides = array<i32>} : memref<2x128xf32, #tpu.memory_space<vmem>>, vector<2x128xf32>,
    return
  }
  func.func @transform_0(%arg0: i32) -> (i32, i32, i32) {
    %c0_i32 = arith.constant 0 : i32
    %c0_i32_0 = arith.constant 0 : i32
    %c0_i32_1 = arith.constant 0 : i32
    return %c0_i32, %arg0, %c0_i32_0 : i32, i32, i32
  }
  func.func @transform_1(%arg0: i32) -> (i32, i32) {
    %c0_i32 = arith.constant 0 : i32
    %c0_i32_0 = arith.constant 0 : i32
    %c0_i32_1 = arith.constant 0 : i32
    return %c0_i32, %c0_i32_0 : i32, i32
  }
}

module attributes {stable_mosaic.version = 14 : i64} {
  func.func @_epilogue_body(%arg0: memref<2x128xf32, #tpu.memory_space<vmem>>, %arg1: memref<128x128xf32, #tpu.memory_space<vmem>>, %arg2: memref<1x128xf32, #tpu.memory_space<vmem>>, %arg3: memref<256x128xf32, #tpu.memory_space<vmem>>, %arg4: memref<1x128xf32, #tpu.memory_space<vmem>>, %arg5: memref<128x1xf32, #tpu.memory_space<vmem>>, %arg6: memref<1x1xf32, #tpu.memory_space<vmem>>, %arg7: memref<1x1xf32, #tpu.memory_space<vmem>>) attributes {dimension_semantics = [], scalar_prefetch = 0 : i64, scratch_operands = 0 : i64, tpu.core_type = #tpu.core_type<tc>} {
    %get3A = arith.constant 0 : index
    %get3A_0 = arith.constant 0 : index
    %get3A_1 = vector.load %arg0[%get3A, %get3A_0] : memref<2x128xf32, #tpu.memory_space<vmem>>, vector<2x128xf32>
    %mul3A = arith.constant 9.99999974E-5 : f32
    %mul3A_2 = vector.broadcast %mul3A : f32 to vector<2x128xf32>
    %mul3A_3 = arith.mulf %get3A_1, %mul3A_2 : vector<2x128xf32>
    %get3A_4 = arith.constant 0 : index
    %get3A_5 = arith.constant 0 : index
    %get3A_6 = vector.load %arg1[%get3A_4, %get3A_5] : memref<128x128xf32, #tpu.memory_space<vmem>>, vector<128x128xf32>
    %dot_general3A = arith.constant dense<0.000000e+00> : vector<2x128xf32>
    %dot_general3A_7 = tpu.matmul %mul3A_3, %get3A_6, %dot_general3A {dimension_numbers = #tpu.dot_dimension_numbers<[1], [0], [0], [1], [0, 0, 1, 1], [], []>, transpose_lhs_hint = false} : vector<2x128xf32>, vector<128x128xf32>, vector<2x128xf32> -> vector<2x128xf32>
    %get3A_8 = arith.constant 0 : index
    %get3A_9 = arith.constant 0 : index
    %get3A_10 = vector.load %arg2[%get3A_8, %get3A_9] : memref<1x128xf32, #tpu.memory_space<vmem>>, vector<1x128xf32>
    %add3A = vector.broadcast %get3A_10 : vector<1x128xf32> to vector<2x128xf32>
    %add3A_11 = arith.addf %dot_general3A_7, %add3A : vector<2x128xf32>
    %slice3A = vector.extract_strided_slice %add3A_11 {offsets = [0, 0], sizes = [1, 128], strides = [1, 1]} : vector<2x128xf32> to vector<1x128xf32>
    %get3A_12 = arith.constant 0 : index
    %get3A_13 = arith.constant 0 : index
    %get3A_14 = vector.load %arg3[%get3A_12, %get3A_13] : memref<256x128xf32, #tpu.memory_space<vmem>>, vector<128x128xf32>
    %dot_general3A_15 = arith.constant dense<0.000000e+00> : vector<1x128xf32>
    %dot_general3A_16 = tpu.matmul %slice3A, %get3A_14, %dot_general3A_15 {dimension_numbers = #tpu.dot_dimension_numbers<[1], [0], [0], [1], [0, 0, 1, 1], [], []>, transpose_lhs_hint = false} : vector<1x128xf32>, vector<128x128xf32>, vector<1x128xf32> -> vector<1x128xf32>
    %slice3A_17 = vector.extract_strided_slice %add3A_11 {offsets = [1, 0], sizes = [1, 128], strides = [1, 1]} : vector<2x128xf32> to vector<1x128xf32>
    %get3A_18 = arith.constant 128 : index
    %get3A_19 = arith.constant 0 : index
    %get3A_20 = vector.load %arg3[%get3A_18, %get3A_19] : memref<256x128xf32, #tpu.memory_space<vmem>>, vector<128x128xf32>
    %dot_general3A_21 = arith.constant dense<0.000000e+00> : vector<1x128xf32>
    %dot_general3A_22 = tpu.matmul %slice3A_17, %get3A_20, %dot_general3A_21 {dimension_numbers = #tpu.dot_dimension_numbers<[1], [0], [0], [1], [0, 0, 1, 1], [], []>, transpose_lhs_hint = false} : vector<1x128xf32>, vector<128x128xf32>, vector<1x128xf32> -> vector<1x128xf32>
    %add3A_23 = arith.addf %dot_general3A_16, %dot_general3A_22 : vector<1x128xf32>
    %get3A_24 = arith.constant 0 : index
    %get3A_25 = arith.constant 0 : index
    %get3A_26 = vector.load %arg4[%get3A_24, %get3A_25] : memref<1x128xf32, #tpu.memory_space<vmem>>, vector<1x128xf32>
    %add3A_27 = arith.addf %add3A_23, %get3A_26 : vector<1x128xf32>
    %max3A = arith.constant 0.000000e+00 : f32
    %max3A_28 = vector.broadcast %max3A : f32 to vector<1x128xf32>
    %max3A_29 = arith.maximumf %add3A_27, %max3A_28 : vector<1x128xf32>
    %get3A_30 = arith.constant 0 : index
    %get3A_31 = arith.constant 0 : index
    %get3A_32 = vector.load %arg5[%get3A_30, %get3A_31] : memref<128x1xf32, #tpu.memory_space<vmem>>, vector<128x1xf32>
    %dot_general3A_33 = arith.constant dense<0.000000e+00> : vector<1x1xf32>
    %dot_general3A_34 = tpu.matmul %max3A_29, %get3A_32, %dot_general3A_33 {dimension_numbers = #tpu.dot_dimension_numbers<[1], [0], [0], [1], [0, 0, 1, 1], [], []>, transpose_lhs_hint = false} : vector<1x128xf32>, vector<128x1xf32>, vector<1x1xf32> -> vector<1x1xf32>
    %get3A_35 = arith.constant 0 : index
    %get3A_36 = arith.constant 0 : index
    %get3A_37 = vector.load %arg6[%get3A_35, %get3A_36] : memref<1x1xf32, #tpu.memory_space<vmem>>, vector<1x1xf32>
    %add3A_38 = arith.addf %dot_general3A_34, %get3A_37 : vector<1x1xf32>
    %neg3A = arith.constant 0.000000e+00 : f32
    %neg3A_39 = vector.broadcast %neg3A : f32 to vector<1x1xf32>
    %neg3A_40 = arith.subf %neg3A_39, %add3A_38 : vector<1x1xf32>
    %exp3A = math.exp %neg3A_40 : vector<1x1xf32>
    %add3A_41 = arith.constant 1.000000e+00 : f32
    %add3A_42 = vector.broadcast %add3A_41 : f32 to vector<1x1xf32>
    %add3A_43 = arith.addf %add3A_42, %exp3A : vector<1x1xf32>
    %div3A = arith.constant 1.000000e+00 : f32
    %div3A_44 = vector.broadcast %div3A : f32 to vector<1x1xf32>
    %div3A_45 = arith.divf %div3A_44, %add3A_43 : vector<1x1xf32>
    %swap3A = arith.constant 0 : index
    %swap3A_46 = arith.constant 0 : index
    %swap3A_47 = vector.load %arg7[%swap3A, %swap3A_46] : memref<1x1xf32, #tpu.memory_space<vmem>>, vector<1x1xf32>
    tpu.vector_store %arg7[%swap3A, %swap3A_46], %div3A_45 {strides = array<i32>} : memref<1x1xf32, #tpu.memory_space<vmem>>, vector<1x1xf32>,
    return
  }
}

</mosaic_0001>

<sc_bundles>
// kernel: kernel.12.cloned.1.call-start
scs
__scs_entry_jumppad:
0x0: {  	(pc) =	sbr.rel $0x88, $3  }
0x1: {  	(tag) =	ssettag $0x0;
	lr =	simm.s32 $0x1  }
0x2: {  	[smem:$0x3F93] =	sst lr;
	_ =	strace $0xD0000000  }
0x3: {  	_ = 	snop  }
0x4: {  	_ = 	snop  }
0x5: {  	_ = 	snop  }
0x6: {  	_ = 	snop  }
0x7: {  	_ = 	snop  }
__scs_overlays_trampoline_lowered:
0x8: {  	[smem:$0x3FA2] =	sst s0  }
0x9: {  	[smem:$0x3FA3] =	sst s1  }
0xa: {  	[smem:$0x3FA4] =	sst s2  }
0xb: {  	[smem:$0x3FA5] =	sst s3  }
0xc: {  	[smem:$0x3FA6] =	sst s4  }
0xd: {  	[smem:$0x3FA7] =	sst s5  }
0xe: {  	[smem:$0x3FA8] =	sst s6  }
0xf: {  	[smem:$0x3FA9] =	sst s7  }
0x10: {  	[smem:$0x3FAA] =	sst s8  }
0x11: {  	[smem:$0x3FAB] =	sst s9;
	s0 =	simm.s32 @!p0 $0x0  }
0x12: {  	s1 =	sld [smem:$0x3F91];
	s0 =	simm.s32 @p0 $0x1  }
0x13: {  	[smem:$0x3FAC] =	sst s0;
	s0 =	simm.s32 @!p1 $0x0  }
0x14: {  	s2 =	sld [smem:$0x3F90];
	s0 =	simm.s32 @p1 $0x1  }
0x15: {  	[smem:$0x3FAD] =	sst s0;
	s0 =	simm.s32 @!p2 $0x0  }
0x16: {  	s3 =	sld [smem:$0x3FDB];
	s0 =	simm.s32 @p2 $0x1  }
0x17: {  	s4 =	simm.s32 $0x1BF5;
	[smem:$0x3FAF] =	sst s0  }
0x18: {  	s0 =	sld [smem:$0x3F92];
	_ =	swait.ge [sflag:s4], $0x0  }
0x19: {  	s7 =	sld [smem:$0x3F93]  }
0x1a: {  	s8 =	sadd.s32 $0xFFFFE003, lr  }
0x1b: {  	s9 =	sadd.s32 $0xFFFFFEF7, lr;
	s5 =	simm.s32 $0xFFFFFFFF;
	p2 =	slt.u32 s8, $0xFFFFF086  }
0x1c: {  	p1 =	slt.u32 s9, $0xF7A;
	s5 =	simm.s32 @!p2 $0x0  }
0x1d: {  	s5 =	simm.s32 @p1 $0x1;
	p0 =	seq.s32 s7, s2  }
0x1e: {  	s7 =	smul.u32 @!p0 $0xF7A, s2;
	p2 =	seq.s32 @!p0 s5, $0x0  }
0x1f: {  	s9 =	smul.u32 $0xF7A, s1;
	s8 =	simm.s32 @!p0 $0x1BF5;
	p2 =	por !p2, p0  }
0x20: {  	[sflag:s8] =	ssyncset.s32 @!p0 $0xFFFFF086;
	s6 =	sadd.s32 @!p0 s3, s7;
	s7 =	simm.s32 @!p0 $0x108  }
0x21: {  	s3 =	sadd.s32 s3, s9;
	s6 =	sadd.s32 @!p0 $0x88, s6;
	s7 =	simm.s32 @p2 $0x1082  }
0x22: {  	[simem:s7], [sflag:s8] =	dma.local @!p0 [hbm:s6], $0xF7A  }
0x23: {  	s9 =	sor.u32 $0xD0000000, s2;
	s6 =	simm.s32 $0x108;
	_ =	swait.ge @!p0 [sflag:s8], $0x0  }
0x24: {  	s3 =	sadd.s32 $0x88, s3;
	s6 =	simm.s32 @!p1 $0x1082;
	[sflag:s4] =	ssyncset.s32 $0xFFFFF086  }
0x25: {  	[simem:s6], [sflag:s4] =	dma.local [hbm:s3], $0xF7A  }
0x26: {  	[smem:$0x3F93] =	sst s1;
	(tag) =	ssettag s2;
	_ =	strace s9  }
0x27: {  	s1 =	sld [smem:$0x3FA3]  }
0x28: {  	s2 =	sld [smem:$0x3FA4]  }
0x29: {  	s4 =	sld [smem:$0x3FA6]  }
0x2a: {  	p0 =	seq.s32 s5, $0x0;
	s5 =	sld [smem:$0x3FA7]  }
0x2b: {  	s6 =	sld [smem:$0x3FA8]  }
0x2c: {  	s7 =	sld [smem:$0x3FA9]  }
0x2d: {  	s3 =	simm.s32 $0x108;
	s8 =	sld [smem:$0x3FAA]  }
0x2e: {  	s3 =	simm.s32 @!p0 $0x1082;
	s9 =	sld [smem:$0x3FAB]  }
0x2f: {  	lr =	sadd.s32 s0, s3;
	s0 =	sld [smem:$0x3FA2]  }
0x30: {  	s3 =	sld [smem:$0x3FA5]  }
0x31: {  	[smem:$0x3FAE] =	sst s10  }
0x32: {  	s10 =	sld [smem:$0x3FAC];
	_ =	sdelay $0x3  }
0x33: {  	p0 =	seq.s32 s10, $0x1;
	s10 =	sld [smem:$0x3FAE];
	_ =	sdelay $0x3  }
0x34: {  	[smem:$0x3FAE] =	sst s10  }
0x35: {  	s10 =	sld [smem:$0x3FAD];
	_ =	sdelay $0x3  }
0x36: {  	p1 =	seq.s32 s10, $0x1;
	s10 =	sld [smem:$0x3FAE];
	_ =	sdelay $0x3  }
0x37: {  	[smem:$0x3FAE] =	sst s10  }
0x38: {  	s10 =	sld [smem:$0x3FAF]  }
0x39: {  	_ = 	snop;
	(pc) =	sbr.ind lr, $3  }
0x3a: {  	_ = 	snop  }
0x3b: {  	_ = 	snop  }
0x3c: {  	p2 =	seq.s32 s10, $0x1;
	s10 =	sld [smem:$0x3FAE]  }
0x3d: {  	_ =	shalt  }
0x3e: {  	_ =	shalt  }
0x3f: {  	_ =	shalt  }
0x40: {  	_ =	shalt  }
0x41: {  	_ =	shalt  }
0x42: {  	_ =	shalt  }
0x43: {  	_ =	shalt  }
0x44: {  	_ =	shalt  }
0x45: {  	_ =	shalt  }
0x46: {  	_ =	shalt  }
0x47: {  	_ =	shalt  }
0x48: {  	_ =	shalt  }
0x49: {  	_ =	shalt  }
0x4a: {  	_ =	shalt  }
0x4b: {  	_ =	shalt  }
0x4c: {  	_ =	shalt  }
0x4d: {  	_ =	shalt  }
0x4e: {  	_ =	shalt  }
0x4f: {  	_ =	shalt  }
0x50: {  	_ =	shalt  }
0x51: {  	_ =	shalt  }
0x52: {  	_ =	shalt  }
0x53: {  	_ =	shalt  }
0x54: {  	_ =	shalt  }
0x55: {  	_ =	shalt  }
0x56: {  	_ =	shalt  }
0x57: {  	_ =	shalt  }
0x58: {  	_ =	shalt  }
0x59: {  	_ =	shalt  }
0x5a: {  	_ =	shalt  }
0x5b: {  	_ =	shalt  }
0x5c: {  	_ =	shalt  }
0x5d: {  	_ =	shalt  }
0x5e: {  	_ =	shalt  }
0x5f: {  	_ =	shalt  }
0x60: {  	_ =	shalt  }
0x61: {  	_ =	shalt  }
0x62: {  	_ =	shalt  }
0x63: {  	_ =	shalt  }
0x64: {  	_ =	shalt  }
0x65: {  	_ =	shalt  }
0x66: {  	_ =	shalt  }
0x67: {  	_ =	shalt  }
0x68: {  	_ =	shalt  }
0x69: {  	_ =	shalt  }
0x6a: {  	_ =	shalt  }
0x6b: {  	_ =	shalt  }
0x6c: {  	_ =	shalt  }
0x6d: {  	_ =	shalt  }
0x6e: {  	_ =	shalt  }
0x6f: {  	_ =	shalt  }
0x70: {  	_ =	shalt  }
0x71: {  	_ =	shalt  }
0x72: {  	_ =	shalt  }
0x73: {  	_ =	shalt  }
0x74: {  	_ =	shalt  }
0x75: {  	_ =	shalt  }
0x76: {  	_ =	shalt  }
0x77: {  	_ =	shalt  }
0x78: {  	_ =	shalt  }
0x79: {  	_ =	shalt  }
0x7a: {  	_ =	shalt  }
0x7b: {  	_ =	shalt  }
0x7c: {  	_ =	shalt  }
0x7d: {  	_ =	shalt  }
0x7e: {  	_ =	shalt  }
0x7f: {  	_ =	shalt  }
0x80: {  	_ =	shalt  }
0x81: {  	_ =	shalt  }
0x82: {  	_ =	shalt  }
0x83: {  	_ =	shalt  }
0x84: {  	_ =	shalt  }
0x85: {  	_ =	shalt  }
0x86: {  	_ =	shalt  }
0x87: {  	_ =	shalt  }
.Lfunc_end0:
.L_simem_size_0:
called_computation_lowered:
.L_overlay_start_0:
0x88: {  	s2 =	sld [smem:$0x3FD9]  }
0x89: {  	s3 =	sld [smem:$0x3FFE];
	_ =	sdelay $0x1  }
0x8a: {  	s1 =	srdreg.scid  }
0x8b: {  	s0 =	sand.u32 $0x1, s1  }
0x8c: {  	s16 =	sshll.u32 s0, $0xA;
	s2 =	sadd.s32 s3, s2  }
0x8d: {  	s2 =	sadd.s32 s2, s16  }
0x8e: {  	[smem:$0x3FBA] =	sst s2  }
0x8f: {  	_ = 	snop  }
0x90: {  	(tm) =	ssettm $0x1  }
0x91: {  	s17 =	sld [smem:$0x3FFB];
	_ =	sdelay $0x3  }
0x92: {  	_ =	strace s17  }
0x93: {  	s2 =	sld [smem:$0x3FFC];
	_ =	sdelay $0x3  }
0x94: {  	_ =	strace s2  }
0x95: {  	s2 =	sld [smem:$0x3FFD];
	_ =	sdelay $0x3  }
0x96: {  	_ =	strace s2  }
0x97: {  	_ =	strace $0x8FFFFFFF  }
0x98: {  	s18 =	sld [smem:$0x3FDB];
	_ =	sdelay $0x1  }
0x99: {  	s19 =	simm.s32 $_scs_section_size  }
0x9a: {  	s4 =	simm.s32 $_size__tile_overlayer_lowered;
	s5 =	simm.s32 $_tile_overlayer_lowered  }
0x9b: {  	s22 =	simm.s32 $0x1BFF;
	s21 =	sshll.u32 s5, $0x1;
	s2 =	sadd.s32 s19, s18  }
0x9c: {  	s6 =	simm.s32 $0x0;
	s20 =	sshll.u32 s4, $0x1;
	s4 =	sadd.s32 s21, s2  }
0x9d: {  	[timem:s6], [sflag:s22] =	dma.local [hbm:s4], s20  }
0x9e: {  	_ =	swait.ge [sflag:s22], s20  }
0x9f: {  	s3 =	ssub.s32 $0x0, s20;
	[sflag:s22] =	ssyncset.done $0x0  }
0xa0: {  	[sflag:s22] =	ssyncadd.s32 s3;
	_ =	sdelay $0x1  }
0xa1: {  	s23 =	simm.s32 $0x1B8B  }
0xa2: {  	_ =	swait.ge [sflag:s23], $0x1  }
0xa3: {  	[sflag:s23] =	ssyncset.done $0x0  }
0xa4: {  	s25 =	simm.s32 $0x1B8E;
	s24 =	sld [smem:$0x3FFE];
	[sflag:s23] =	ssyncadd.s32 $0xFFFFFFFF  }
0xa5: {  	s26 =	simm.s32 $execute0_lowered;
	[smem:$0x3FD2] =	sst s25  }
0xa6: {  	s4 =	sshll.u32 s26, $0x1;
	_ =	strace $0x80000046;
	[dreg:$0x1] =	wrdreg $0xFFFFFFFF  }
0xa7: {  	s28 =	simm.s32 $_size_execute0_lowered;
	s2 =	sadd.s32 s2, s4;
	[dreg:$0x0] =	wrdreg $0x0  }
0xa8: {  	s4 =	sshll.u32 s28, $0x1;
	[dreg:$0x2] =	wrdreg s2  }
0xa9: {  	[dreg:$0x3] =	wrdreg s4  }
0xaa: {  	[dreg:$0x4] =	wrdreg $0xC0  }
0xab: {  	_ =	task [dreg:s6], $0x5FFFF  }
0xac: {  	[dreg:$0x1] =	wrdreg $0xFFFFFFFF  }
0xad: {  	[dreg:$0x0] =	wrdreg $0x60  }
0xae: {  	[dreg:$0x2] =	wrdreg s24  }
0xaf: {  	[dreg:$0x3] =	wrdreg $0x9  }
0xb0: {  	_ =	task.clear_ibuf [dreg:s6], $0x4FFFF;
	_ =	strace $0x90000046  }
0xb1: {  	s29 =	simm.s32 $0x9;
	_ =	strace $0x80000048  }
0xb2: {  	_ =	swait.ge [sflag:s29], $0x1  }
0xb3: {  	[sflag:s29] =	ssyncadd.s32 $0xFFFFFFFF  }
0xb4: {  	_ =	strace $0x90000048  }
0xb5: {  	_ =	sfence  }
0xb6: {  	s30 =	sld [smem:$0x0];
	_ =	sdelay $0x2  }
0xb7: {  	s31 =	sshll.u32 s1, $0xD;
	s1 =	sshrl.u32 s1, $0x2  }
0xb8: {  	s3 =	sand.u32 $0x4000, s31;
	s1 =	sadd.s32 s1, s30  }
0xb9: {  	s0 =	sor.u32 s3, s0;
	s1 =	sshll.u32 s1, $0x11  }
0xba: {  	s0 =	sor.u32 s1, s0  }
0xbb: {  	s0 =	sadd.s32 $0x8F2B, s0  }
0xbc: {  	[sflag:s0] =	ssyncadd.remote.s32 $0x1  }
0xbd: {  	_ =	sfence.sel $0xFFFF  }
0xbe: {  	[dreg:$0x0] =	wrdreg $0xFFFFFFFF;
	(pc) =	sbr.abs _section_cstart, $3  }
0xbf: {  	[dreg:$0x1] =	wrdreg $0xFFFFFFFF  }
0xc0: {  	_ =	task.clear_ibuf [dreg:s6], $0x2FFFF;
	_ =	strace $0x9FFFFFFF  }
0xc1: {  	(tm) =	ssettm $0x7FFFFFFF  }
tec
execute0_lowered:
.L_overlay_start_1:
0x0: {  	(tag) =	ssettag $0x1  }
0x1: {  	s1 =	srdreg.scid  }
0x2: {  	s0 =	stileid.u32;
	s3 =	sand.u32 $0x1, s1  }
0x3: {  	s2 =	sshrl.u32 s0, $0x3;
	s4 =	smul.u32 $0x4F000, s3  }
0x4: {  	s6 =	rddreg [dreg:$0x0];
	s10 =	simm.s32 $0x4F00;
	s5 =	smul.u32 $0x27800, s2  }
0x5: {  	s11 =	simm.s32 $0x0;
	s1 =	rddreg [dreg:$0x1];
	s7 =	smul.u32 $0x28000, s3  }
0x6: {  	s8 =	sshll.u32 s0, $0x7;
	s9 =	smul.u32 $0x14000, s2;
	s2 =	simm.s32 $0x0  }
0x7: {  	s8 =	sand.u32 $0x380, s8;
	s30 =	ssub.s32 $0x2, s3;
	s3 =	sadd.s32 $0x16400, s6  }
0x8: {  	[smem:$0x7FF] =	sst s2;
	s31 =	sshrl.u32 s30, $0x1;
	s4 =	sadd.s32 s4, s5  }
0x9: {  	s29 =	sadd.s32 s7, s9;
	_ =	strace $0x80000047;
	s7 =	simm.s32 $0x80  }
0xa: {  	s9 =	simm.s32 $0x1;
	s4 =	sor.u32 s8, s4;
	s5 =	sor.u32 s8, s29  }
0xb: {  	s8 =	simm.s32 $0x400;
	s4 =	sshrl.u32 s4, $0x3;
	s5 =	sshrl.u32 s5, $0x3  }
0xc: {  	s4 =	sadd.s32 s4, s6;
	s5 =	sadd.s32 s5, s6;
	s6 =	ssub.s32 s30, s31  }
0xd: {  	v0 =	vimm.f32 $1.000000000e+00;
	s4 =	sadd.s32 $0x2800, s4;
	s5 =	sadd.s32 $0x16A00, s5;
	s6 =	smax.u32 s6, $0x1  }
.LBB2_1:
0xe: {  	[tilespmem:s2], [sflag:$0x1] =	stream.strided.gather [hbm4b:s4+s7], $0x4F00, s8, s7, $0x38;
	[tilespmem:$0x7700] =	vst v63  }
0xf: {  	_ =	swait.ge [sflag:s9], $0x4F00  }
0x10: {  	[sflag:s9] =	ssyncset.done $0x0  }
0x11: {  	[sflag:s9] =	ssyncadd.s32 $0xFFFFB100  }
0x12: {  	[tilespmem:s10], [sflag:$0x1] =	stream.linear.gather [hbm4b:s3+s2], $0x2800, $0x38;
	[tilespmem:$0x7700] =	vst v63  }
0x13: {  	_ =	swait.ge [sflag:s9], $0x2800  }
0x14: {  	[sflag:s9] =	ssyncset.done $0x0  }
0x15: {  	s13 =	simm.s32 $0x0;
	s12 =	simm.s32 $0x40;
	[sflag:s9] =	ssyncadd.s32 $0xFFFFD800  }
.LBB2_2:
0x16: {  	p0 =	sne.s32 s12, $0x13BC0;
	v1 =	vld [tilespmem:s13+$0x0];
	_ =	sdelay $0x3  }
.Ltmp0:
0x17: {  	(pc) =	sbr.rel @p0 .LBB2_2-.Ltmp0, $2  }
0x18: {  	_ =	sdelay $0x2  }
0x19: {  	s13 =	sshra.s32 s12, $0x2;
	s12 =	sadd.s32 $0x40, s12;
	[tilespmem:v1+s10+$0x0] =	vst.idx.add.f32.msk $0xffff, v0  }
0x1a: {  	v1 =	vld [tilespmem:s13+$0x0];
	_ =	sdelay $0x5  }
0x1b: {  	s11 =	sadd.s32 $0x1, s11  }
0x1c: {  	p0 =	sne.s32 s11, s6  }
.Ltmp1:
0x1d: {  	[tilespmem:v1+s10+$0x0] =	vst.idx.add.f32.msk $0xffff, v0;
	(pc) =	sbr.rel @p0 .LBB2_1-.Ltmp1, $4  }
0x1e: {  	[hbm4b:s5+s7] =	stream.strided.scatter [tilespmem:s10], [sflag:$0x1], $0x2800, s8, s7, $0x38;
	[tilespmem:$0x7700] =	vst v63  }
0x1f: {  	_ =	swait.ge [sflag:s9], $0x2800  }
0x20: {  	[sflag:s9] =	ssyncset.done $0x0  }
0x21: {  	[sflag:s9] =	ssyncadd.s32 $0xFFFFD800  }
0x22: {  	_ =	sfence.sel $0x180000  }
0x23: {  	[bflag:$0x0] =	sbarrier.arrive $0xFFFF  }
0x24: {  	p0 =	sne.s32 s0, $0x0;
	_ =	strace $0x90000047  }
0x25: {  	s0 =	sadd.s32 @!p0 $0x100000, s1;
	[bflag:$0x2] =	sbarrier.arrive $0xFFFF  }
0x26: {  	[sflag:s0] =	ssyncadd.tile.s32 @!p0 $0x1;
	_ =	shalt  }
.Lfunc_end2:
_tile_overlayer_lowered:
.L_overlay_start_2:
0x27: {  	(tag) =	ssettag $0x2  }
0x28: {  	s0 =	rddreg [dreg:$0x0];
	s2 =	stileid.u32  }
0x29: {  	s1 =	rddreg [dreg:$0x1];
	p0 =	sne.s32 s2, $0x0  }
0x2a: {  	s3 =	rddreg [dreg:$0x2];
	[bflag:$0x3] =	sbarrier.arrive $0xFFFF;
	s2 =	simm.s32 @!p0 $0x1C01  }
0x2b: {  	[timem:s3], [sflag:s2] =	dma.local @!p0 [hbm:s0], s1  }
0x2c: {  	s0 =	simm.s32 @!p0 $0x1  }
0x2d: {  	_ =	swait.ge @!p0 [sflag:s0], s1  }
0x2e: {  	s1 =	ssub.s32 @!p0 $0x0, s1;
	[sflag:s0] =	ssyncset.done @!p0 $0x0  }
0x2f: {  	[sflag:s0] =	ssyncadd.s32 @!p0 s1  }
0x30: {  	[bflag:$0x3] =	sbarrier.arrive $0xFFFF  }
0x31: {  	_ =	shalt  }

// kernel: kernel.15.cloned.1.call-start
scs
__scs_entry_jumppad:
0x0: {  	(pc) =	sbr.rel $0x88, $3  }
0x1: {  	(tag) =	ssettag $0x0;
	lr =	simm.s32 $0x1  }
0x2: {  	[smem:$0x3F93] =	sst lr;
	_ =	strace $0xD0000000  }
0x3: {  	_ = 	snop  }
0x4: {  	_ = 	snop  }
0x5: {  	_ = 	snop  }
0x6: {  	_ = 	snop  }
0x7: {  	_ = 	snop  }
__scs_overlays_trampoline_lowered:
0x8: {  	[smem:$0x3FA2] =	sst s0  }
0x9: {  	[smem:$0x3FA3] =	sst s1  }
0xa: {  	[smem:$0x3FA4] =	sst s2  }
0xb: {  	[smem:$0x3FA5] =	sst s3  }
0xc: {  	[smem:$0x3FA6] =	sst s4  }
0xd: {  	[smem:$0x3FA7] =	sst s5  }
0xe: {  	[smem:$0x3FA8] =	sst s6  }
0xf: {  	[smem:$0x3FA9] =	sst s7  }
0x10: {  	[smem:$0x3FAA] =	sst s8  }
0x11: {  	[smem:$0x3FAB] =	sst s9;
	s0 =	simm.s32 @!p0 $0x0  }
0x12: {  	s1 =	sld [smem:$0x3F91];
	s0 =	simm.s32 @p0 $0x1  }
0x13: {  	[smem:$0x3FAC] =	sst s0;
	s0 =	simm.s32 @!p1 $0x0  }
0x14: {  	s2 =	sld [smem:$0x3F90];
	s0 =	simm.s32 @p1 $0x1  }
0x15: {  	[smem:$0x3FAD] =	sst s0;
	s0 =	simm.s32 @!p2 $0x0  }
0x16: {  	s3 =	sld [smem:$0x3FDB];
	s0 =	simm.s32 @p2 $0x1  }
0x17: {  	s4 =	simm.s32 $0x1BF5;
	[smem:$0x3FAF] =	sst s0  }
0x18: {  	s0 =	sld [smem:$0x3F92];
	_ =	swait.ge [sflag:s4], $0x0  }
0x19: {  	s7 =	sld [smem:$0x3F93]  }
0x1a: {  	s8 =	sadd.s32 $0xFFFFE003, lr  }
0x1b: {  	s9 =	sadd.s32 $0xFFFFFEF7, lr;
	s5 =	simm.s32 $0xFFFFFFFF;
	p2 =	slt.u32 s8, $0xFFFFF086  }
0x1c: {  	p1 =	slt.u32 s9, $0xF7A;
	s5 =	simm.s32 @!p2 $0x0  }
0x1d: {  	s5 =	simm.s32 @p1 $0x1;
	p0 =	seq.s32 s7, s2  }
0x1e: {  	s7 =	smul.u32 @!p0 $0xF7A, s2;
	p2 =	seq.s32 @!p0 s5, $0x0  }
0x1f: {  	s9 =	smul.u32 $0xF7A, s1;
	s8 =	simm.s32 @!p0 $0x1BF5;
	p2 =	por !p2, p0  }
0x20: {  	[sflag:s8] =	ssyncset.s32 @!p0 $0xFFFFF086;
	s6 =	sadd.s32 @!p0 s3, s7;
	s7 =	simm.s32 @!p0 $0x108  }
0x21: {  	s3 =	sadd.s32 s3, s9;
	s6 =	sadd.s32 @!p0 $0x88, s6;
	s7 =	simm.s32 @p2 $0x1082  }
0x22: {  	[simem:s7], [sflag:s8] =	dma.local @!p0 [hbm:s6], $0xF7A  }
0x23: {  	s9 =	sor.u32 $0xD0000000, s2;
	s6 =	simm.s32 $0x108;
	_ =	swait.ge @!p0 [sflag:s8], $0x0  }
0x24: {  	s3 =	sadd.s32 $0x88, s3;
	s6 =	simm.s32 @!p1 $0x1082;
	[sflag:s4] =	ssyncset.s32 $0xFFFFF086  }
0x25: {  	[simem:s6], [sflag:s4] =	dma.local [hbm:s3], $0xF7A  }
0x26: {  	[smem:$0x3F93] =	sst s1;
	(tag) =	ssettag s2;
	_ =	strace s9  }
0x27: {  	s1 =	sld [smem:$0x3FA3]  }
0x28: {  	s2 =	sld [smem:$0x3FA4]  }
0x29: {  	s4 =	sld [smem:$0x3FA6]  }
0x2a: {  	p0 =	seq.s32 s5, $0x0;
	s5 =	sld [smem:$0x3FA7]  }
0x2b: {  	s6 =	sld [smem:$0x3FA8]  }
0x2c: {  	s7 =	sld [smem:$0x3FA9]  }
0x2d: {  	s3 =	simm.s32 $0x108;
	s8 =	sld [smem:$0x3FAA]  }
0x2e: {  	s3 =	simm.s32 @!p0 $0x1082;
	s9 =	sld [smem:$0x3FAB]  }
0x2f: {  	lr =	sadd.s32 s0, s3;
	s0 =	sld [smem:$0x3FA2]  }
0x30: {  	s3 =	sld [smem:$0x3FA5]  }
0x31: {  	[smem:$0x3FAE] =	sst s10  }
0x32: {  	s10 =	sld [smem:$0x3FAC];
	_ =	sdelay $0x3  }
0x33: {  	p0 =	seq.s32 s10, $0x1;
	s10 =	sld [smem:$0x3FAE];
	_ =	sdelay $0x3  }
0x34: {  	[smem:$0x3FAE] =	sst s10  }
0x35: {  	s10 =	sld [smem:$0x3FAD];
	_ =	sdelay $0x3  }
0x36: {  	p1 =	seq.s32 s10, $0x1;
	s10 =	sld [smem:$0x3FAE];
	_ =	sdelay $0x3  }
0x37: {  	[smem:$0x3FAE] =	sst s10  }
0x38: {  	s10 =	sld [smem:$0x3FAF]  }
0x39: {  	_ = 	snop;
	(pc) =	sbr.ind lr, $3  }
0x3a: {  	_ = 	snop  }
0x3b: {  	_ = 	snop  }
0x3c: {  	p2 =	seq.s32 s10, $0x1;
	s10 =	sld [smem:$0x3FAE]  }
0x3d: {  	_ =	shalt  }
0x3e: {  	_ =	shalt  }
0x3f: {  	_ =	shalt  }
0x40: {  	_ =	shalt  }
0x41: {  	_ =	shalt  }
0x42: {  	_ =	shalt  }
0x43: {  	_ =	shalt  }
0x44: {  	_ =	shalt  }
0x45: {  	_ =	shalt  }
0x46: {  	_ =	shalt  }
0x47: {  	_ =	shalt  }
0x48: {  	_ =	shalt  }
0x49: {  	_ =	shalt  }
0x4a: {  	_ =	shalt  }
0x4b: {  	_ =	shalt  }
0x4c: {  	_ =	shalt  }
0x4d: {  	_ =	shalt  }
0x4e: {  	_ =	shalt  }
0x4f: {  	_ =	shalt  }
0x50: {  	_ =	shalt  }
0x51: {  	_ =	shalt  }
0x52: {  	_ =	shalt  }
0x53: {  	_ =	shalt  }
0x54: {  	_ =	shalt  }
0x55: {  	_ =	shalt  }
0x56: {  	_ =	shalt  }
0x57: {  	_ =	shalt  }
0x58: {  	_ =	shalt  }
0x59: {  	_ =	shalt  }
0x5a: {  	_ =	shalt  }
0x5b: {  	_ =	shalt  }
0x5c: {  	_ =	shalt  }
0x5d: {  	_ =	shalt  }
0x5e: {  	_ =	shalt  }
0x5f: {  	_ =	shalt  }
0x60: {  	_ =	shalt  }
0x61: {  	_ =	shalt  }
0x62: {  	_ =	shalt  }
0x63: {  	_ =	shalt  }
0x64: {  	_ =	shalt  }
0x65: {  	_ =	shalt  }
0x66: {  	_ =	shalt  }
0x67: {  	_ =	shalt  }
0x68: {  	_ =	shalt  }
0x69: {  	_ =	shalt  }
0x6a: {  	_ =	shalt  }
0x6b: {  	_ =	shalt  }
0x6c: {  	_ =	shalt  }
0x6d: {  	_ =	shalt  }
0x6e: {  	_ =	shalt  }
0x6f: {  	_ =	shalt  }
0x70: {  	_ =	shalt  }
0x71: {  	_ =	shalt  }
0x72: {  	_ =	shalt  }
0x73: {  	_ =	shalt  }
0x74: {  	_ =	shalt  }
0x75: {  	_ =	shalt  }
0x76: {  	_ =	shalt  }
0x77: {  	_ =	shalt  }
0x78: {  	_ =	shalt  }
0x79: {  	_ =	shalt  }
0x7a: {  	_ =	shalt  }
0x7b: {  	_ =	shalt  }
0x7c: {  	_ =	shalt  }
0x7d: {  	_ =	shalt  }
0x7e: {  	_ =	shalt  }
0x7f: {  	_ =	shalt  }
0x80: {  	_ =	shalt  }
0x81: {  	_ =	shalt  }
0x82: {  	_ =	shalt  }
0x83: {  	_ =	shalt  }
0x84: {  	_ =	shalt  }
0x85: {  	_ =	shalt  }
0x86: {  	_ =	shalt  }
0x87: {  	_ =	shalt  }
.Lfunc_end0:
.L_simem_size_0:
called_computation.1_lowered:
.L_overlay_start_0:
0x88: {  	s2 =	sld [smem:$0x3FD9]  }
0x89: {  	s3 =	sld [smem:$0x3FFE];
	_ =	sdelay $0x1  }
0x8a: {  	s1 =	srdreg.scid  }
0x8b: {  	s0 =	sand.u32 $0x1, s1  }
0x8c: {  	s17 =	sshll.u32 s0, $0xA;
	s2 =	sadd.s32 s3, s2  }
0x8d: {  	s2 =	sadd.s32 s2, s17  }
0x8e: {  	[smem:$0x3FBA] =	sst s2  }
0x8f: {  	_ = 	snop  }
0x90: {  	(tm) =	ssettm $0x1  }
0x91: {  	s18 =	sld [smem:$0x3FFB];
	_ =	sdelay $0x3  }
0x92: {  	_ =	strace s18  }
0x93: {  	s2 =	sld [smem:$0x3FFC];
	_ =	sdelay $0x3  }
0x94: {  	_ =	strace s2  }
0x95: {  	s2 =	sld [smem:$0x3FFD];
	_ =	sdelay $0x3  }
0x96: {  	_ =	strace s2  }
0x97: {  	_ =	strace $0x8FFFFFFF  }
0x98: {  	s19 =	sld [smem:$0x3FDB];
	_ =	sdelay $0x1  }
0x99: {  	s20 =	simm.s32 $_scs_section_size  }
0x9a: {  	s4 =	simm.s32 $_size__tile_overlayer_lowered;
	s5 =	simm.s32 $_tile_overlayer_lowered  }
0x9b: {  	s6 =	simm.s32 $0x1BFF;
	s21 =	sshll.u32 s5, $0x1;
	s3 =	sadd.s32 s20, s19  }
0x9c: {  	s22 =	simm.s32 $0x0;
	s4 =	sshll.u32 s4, $0x1;
	s5 =	sadd.s32 s21, s3  }
0x9d: {  	[timem:s22], [sflag:s6] =	dma.local [hbm:s5], s4  }
0x9e: {  	_ =	swait.ge [sflag:s6], s4  }
0x9f: {  	s4 =	ssub.s32 $0x0, s4;
	[sflag:s6] =	ssyncset.done $0x0  }
0xa0: {  	[sflag:s6] =	ssyncadd.s32 s4;
	_ =	sdelay $0x1  }
0xa1: {  	s23 =	simm.s32 $0x1B8B  }
0xa2: {  	_ =	swait.ge [sflag:s23], $0x1  }
0xa3: {  	[sflag:s23] =	ssyncset.done $0x0  }
0xa4: {  	[sflag:s23] =	ssyncadd.s32 $0xFFFFFFFF  }
0xa5: {  	s4 =	sld [smem:$0x0]  }
0xa6: {  	s5 =	sand.u32 $0xFFFFFFFE, s1  }
0xa7: {  	p0 =	sne.s32 s1, s5  }
0xa8: {  	s5 =	sshll.u32 @p0 s5, $0xE  }
0xa9: {  	s5 =	sadd.s32 @p0 $0x11B8D, s5;
	s6 =	sshll.u32 @p0 s4, $0x11  }
0xaa: {  	s5 =	sor.u32 @p0 s6, s5  }
0xab: {  	[sflag:s5] =	ssyncadd.remote.s32 @p0 $0x1;
	_ =	sdelay $0x1  }
0xac: {  	s5 =	simm.s32 @p0 $0x1B8D  }
0xad: {  	_ =	swait.eq @p0 [sflag:s5], $0x1  }
0xae: {  	[sflag:s5] =	ssyncadd.s32 @p0 $0xFFFFFFFF  }
0xaf: {  	s6 =	sshll.u32 @!p0 s1, $0xE  }
0xb0: {  	s6 =	sor.u32 @!p0 $0x4000, s6;
	s5 =	simm.s32 @!p0 $0x1B8D  }
0xb1: {  	s4 =	sshll.u32 @!p0 s4, $0x11;
	s6 =	sadd.s32 @!p0 $0x11B8D, s6;
	_ =	swait.eq @!p0 [sflag:s5], $0x1  }
0xb2: {  	s4 =	sor.u32 @!p0 s4, s6;
	[sflag:s5] =	ssyncadd.s32 @!p0 $0xFFFFFFFF  }
0xb3: {  	s25 =	simm.s32 $0x1B8E;
	s24 =	sld [smem:$0x3FFE];
	[sflag:s4] =	ssyncadd.remote.s32 @!p0 $0x1  }
0xb4: {  	s26 =	simm.s32 $execute0_lowered;
	[smem:$0x3FD2] =	sst s25  }
0xb5: {  	s5 =	sshll.u32 s26, $0x1;
	_ =	strace $0x8000004C;
	[dreg:$0x1] =	wrdreg $0xFFFFFFFF  }
0xb6: {  	s28 =	simm.s32 $_size_execute0_lowered;
	s3 =	sadd.s32 s3, s5;
	[dreg:$0x0] =	wrdreg $0x0  }
0xb7: {  	s5 =	sshll.u32 s28, $0x1;
	[dreg:$0x2] =	wrdreg s3  }
0xb8: {  	[dreg:$0x3] =	wrdreg s5  }
0xb9: {  	[dreg:$0x4] =	wrdreg $0xC0  }
0xba: {  	_ =	task [dreg:s22], $0x5FFFF  }
0xbb: {  	[dreg:$0x1] =	wrdreg $0xFFFFFFFF  }
0xbc: {  	[dreg:$0x0] =	wrdreg $0x60  }
0xbd: {  	[dreg:$0x2] =	wrdreg s24  }
0xbe: {  	[dreg:$0x3] =	wrdreg $0x9  }
0xbf: {  	_ =	task.clear_ibuf [dreg:s22], $0x4FFFF;
	_ =	strace $0x9000004C  }
0xc0: {  	s29 =	simm.s32 $0x9;
	_ =	strace $0x8000004E  }
0xc1: {  	_ =	swait.ge [sflag:s29], $0x1  }
0xc2: {  	[sflag:s29] =	ssyncadd.s32 $0xFFFFFFFF  }
0xc3: {  	_ =	strace $0x9000004E  }
0xc4: {  	_ =	sfence  }
0xc5: {  	s30 =	sld [smem:$0x0];
	_ =	sdelay $0x2  }
0xc6: {  	s31 =	sshll.u32 s1, $0xD;
	s1 =	sshrl.u32 s1, $0x2  }
0xc7: {  	s4 =	sand.u32 $0x4000, s31;
	s1 =	sadd.s32 s1, s30  }
0xc8: {  	s0 =	sor.u32 s4, s0;
	s1 =	sshll.u32 s1, $0x11  }
0xc9: {  	s0 =	sor.u32 s1, s0  }
0xca: {  	s0 =	sadd.s32 $0x8F2B, s0  }
0xcb: {  	[sflag:s0] =	ssyncadd.remote.s32 $0x1  }
0xcc: {  	_ =	sfence.sel $0xFFFF  }
0xcd: {  	[dreg:$0x0] =	wrdreg $0xFFFFFFFF;
	(pc) =	sbr.abs _section_cstart, $3  }
0xce: {  	[dreg:$0x1] =	wrdreg $0xFFFFFFFF  }
0xcf: {  	_ =	task.clear_ibuf [dreg:s22], $0x2FFFF;
	_ =	strace $0x9FFFFFFF  }
0xd0: {  	(tm) =	ssettm $0x7FFFFFFF  }
0xd1: {  	_ =	shalt  }
tec
execute0_lowered:
.L_overlay_start_1:
0x0: {  	(tag) =	ssettag $0x1  }
0x1: {  	s1 =	srdreg.scid  }
0x2: {  	s0 =	stileid.u32;
	s6 =	rddreg [dreg:$0x0]  }
0x3: {  	s2 =	simm.s32 $0x0;
	s11 =	simm.s32 $0x1;
	s12 =	simm.s32 $0x4F00  }
0x4: {  	s13 =	simm.s32 $0x100;
	s14 =	simm.s32 $0x9E00;
	s3 =	sand.u32 $0x1, s1  }
0x5: {  	s15 =	simm.s32 $0xC600;
	s4 =	sshrl.u32 s0, $0x3;
	s5 =	smul.u32 $0x4F000, s3  }
0x6: {  	s16 =	simm.s32 $0x0;
	s1 =	rddreg [dreg:$0x1];
	s7 =	smul.u32 $0x27800, s4  }
0x7: {  	s8 =	sshll.u32 s0, $0x7;
	[smem:$0x7FF] =	sst s2;
	s28 =	smul.u32 $0x28000, s3  }
0x8: {  	s8 =	sand.u32 $0x380, s8;
	s4 =	smul.u32 $0x14000, s4;
	_ =	strace $0x8000004D  }
0x9: {  	s9 =	sshll.u32 s3, $0x4;
	s30 =	ssub.s32 $0x2, s3;
	s3 =	sadd.s32 $0x16400, s6  }
0xa: {  	s29 =	sadd.s32 s9, s6;
	s31 =	sshrl.u32 s30, $0x1;
	s5 =	sadd.s32 s5, s7  }
0xb: {  	s9 =	simm.s32 $0x80;
	s4 =	sadd.s32 s28, s4;
	s5 =	sor.u32 s8, s5  }
0xc: {  	s4 =	sor.u32 s8, s4;
	s8 =	ssub.s32 s30, s31;
	s5 =	sshrl.u32 s5, $0x3  }
0xd: {  	s4 =	sshrl.u32 s4, $0x3;
	s8 =	smax.u32 s8, $0x1;
	s5 =	sadd.s32 s5, s6  }
0xe: {  	s10 =	sadd.s32 s4, s6;
	s6 =	sadd.s32 $0x16A00, s29;
	s4 =	sadd.s32 $0x119800, s5  }
0xf: {  	s5 =	sadd.s32 $0x2800, s5;
	s7 =	sadd.s32 $0x17400, s10;
	s10 =	simm.s32 $0x400  }
.LBB2_1:
0x10: {  	[tilespmem:s2], [sflag:$0x1] =	stream.strided.gather [hbm4b:s4+s9], $0x4F00, s10, s9, $0x38;
	[tilespmem:$0xEE00] =	vst v63  }
0x11: {  	_ =	swait.ge [sflag:s11], $0x4F00  }
0x12: {  	[sflag:s11] =	ssyncset.done $0x0  }
0x13: {  	[sflag:s11] =	ssyncadd.s32 $0xFFFFB100  }
0x14: {  	[tilespmem:s12], [sflag:$0x1] =	stream.strided.gather [hbm4b:s5+s9], $0x4F00, s10, s9, $0x38;
	[tilespmem:$0xEE00] =	vst v63  }
0x15: {  	_ =	swait.ge [sflag:s11], $0x4F00  }
0x16: {  	[sflag:s11] =	ssyncset.done $0x0  }
0x17: {  	[sflag:s11] =	ssyncadd.s32 $0xFFFFB100  }
0x18: {  	[tilespmem:s14], [sflag:$0x1] =	stream.strided.gather [hbm4b:s6+s9], $0x2800, s13, s9, $0x38;
	[tilespmem:$0xEE00] =	vst v63  }
0x19: {  	_ =	swait.ge [sflag:s11], $0x2800  }
0x1a: {  	[sflag:s11] =	ssyncset.done $0x0  }
0x1b: {  	[sflag:s11] =	ssyncadd.s32 $0xFFFFD800  }
0x1c: {  	[tilespmem:s15], [sflag:$0x1] =	stream.linear.gather [hbm4b:s3+s2], $0x2800, $0x38;
	[tilespmem:$0xEE00] =	vst v63  }
0x1d: {  	_ =	swait.ge [sflag:s11], $0x2800  }
0x1e: {  	[sflag:s11] =	ssyncset.done $0x0  }
0x1f: {  	s18 =	simm.s32 $0x0;
	s17 =	simm.s32 $0x40;
	[sflag:s11] =	ssyncadd.s32 $0xFFFFD800  }
.LBB2_2:
0x20: {  	p0 =	sne.s32 s17, $0x13BC0;
	v0 =	vld [tilespmem:s18+$0x4F00];
	_ =	sdelay $0x5  }
0x21: {  	v1 =	vld [tilespmem:s18+$0x0];
	_ =	sdelay $0x1  }
0x22: {  	v0 =	vld.idx.msk [tilespmem:v0+s14+$0x0], $0xffff;
	_ =	sdelay $0x1  }
.Ltmp0:
0x23: {  	(pc) =	sbr.rel @p0 .LBB2_2-.Ltmp0, $2  }
0x24: {  	_ =	sdelay $0x2  }
0x25: {  	s18 =	sshra.s32 s17, $0x2;
	s17 =	sadd.s32 $0x40, s17;
	[tilespmem:v1+s15+$0x0] =	vst.idx.add.f32.msk $0xffff, v0  }
0x26: {  	v0 =	vld [tilespmem:s18+$0x4F00];
	_ =	sdelay $0x4  }
0x27: {  	v1 =	vld [tilespmem:s18+$0x0];
	_ =	sdelay $0x2  }
0x28: {  	v0 =	vld.idx.msk [tilespmem:v0+s14+$0x0], $0xffff;
	_ =	sdelay $0x2  }
0x29: {  	s16 =	sadd.s32 $0x1, s16  }
0x2a: {  	p0 =	sne.s32 s16, s8  }
.Ltmp1:
0x2b: {  	[tilespmem:v1+s15+$0x0] =	vst.idx.add.f32.msk $0xffff, v0;
	(pc) =	sbr.rel @p0 .LBB2_1-.Ltmp1, $4  }
0x2c: {  	[hbm4b:s7+s9] =	stream.strided.scatter [tilespmem:s15], [sflag:$0x1], $0x2800, s10, s9, $0x38;
	[tilespmem:$0xEE00] =	vst v63  }
0x2d: {  	_ =	swait.ge [sflag:s11], $0x2800  }
0x2e: {  	[sflag:s11] =	ssyncset.done $0x0  }
0x2f: {  	[sflag:s11] =	ssyncadd.s32 $0xFFFFD800  }
0x30: {  	_ =	sfence.sel $0x180000  }
0x31: {  	[bflag:$0x0] =	sbarrier.arrive $0xFFFF  }
0x32: {  	p0 =	sne.s32 s0, $0x0;
	_ =	strace $0x9000004D  }
0x33: {  	s0 =	sadd.s32 @!p0 $0x100000, s1;
	[bflag:$0x2] =	sbarrier.arrive $0xFFFF  }
0x34: {  	[sflag:s0] =	ssyncadd.tile.s32 @!p0 $0x1;
	_ =	shalt  }
.Lfunc_end2:
_tile_overlayer_lowered:
.L_overlay_start_2:
0x35: {  	(tag) =	ssettag $0x2  }
0x36: {  	s0 =	rddreg [dreg:$0x0];
	s2 =	stileid.u32  }
0x37: {  	s1 =	rddreg [dreg:$0x1];
	p0 =	sne.s32 s2, $0x0  }
0x38: {  	s3 =	rddreg [dreg:$0x2];
	[bflag:$0x3] =	sbarrier.arrive $0xFFFF;
	s2 =	simm.s32 @!p0 $0x1C01  }
0x39: {  	[timem:s3], [sflag:s2] =	dma.local @!p0 [hbm:s0], s1  }
0x3a: {  	s0 =	simm.s32 @!p0 $0x1  }
0x3b: {  	_ =	swait.ge @!p0 [sflag:s0], s1  }
0x3c: {  	s1 =	ssub.s32 @!p0 $0x0, s1;
	[sflag:s0] =	ssyncset.done @!p0 $0x0  }
0x3d: {  	[sflag:s0] =	ssyncadd.s32 @!p0 s1  }
0x3e: {  	[bflag:$0x3] =	sbarrier.arrive $0xFFFF  }
0x3f: {  	_ =	shalt  }

// kernel: kernel.18.cloned.1.call-start
scs
__scs_entry_jumppad:
0x0: {  	(pc) =	sbr.rel $0x88, $3  }
0x1: {  	(tag) =	ssettag $0x0;
	lr =	simm.s32 $0x1  }
0x2: {  	[smem:$0x3F93] =	sst lr;
	_ =	strace $0xD0000000  }
0x3: {  	_ = 	snop  }
0x4: {  	_ = 	snop  }
0x5: {  	_ = 	snop  }
0x6: {  	_ = 	snop  }
0x7: {  	_ = 	snop  }
__scs_overlays_trampoline_lowered:
0x8: {  	[smem:$0x3FA2] =	sst s0  }
0x9: {  	[smem:$0x3FA3] =	sst s1  }
0xa: {  	[smem:$0x3FA4] =	sst s2  }
0xb: {  	[smem:$0x3FA5] =	sst s3  }
0xc: {  	[smem:$0x3FA6] =	sst s4  }
0xd: {  	[smem:$0x3FA7] =	sst s5  }
0xe: {  	[smem:$0x3FA8] =	sst s6  }
0xf: {  	[smem:$0x3FA9] =	sst s7  }
0x10: {  	[smem:$0x3FAA] =	sst s8  }
0x11: {  	[smem:$0x3FAB] =	sst s9;
	s0 =	simm.s32 @!p0 $0x0  }
0x12: {  	s1 =	sld [smem:$0x3F91];
	s0 =	simm.s32 @p0 $0x1  }
0x13: {  	[smem:$0x3FAC] =	sst s0;
	s0 =	simm.s32 @!p1 $0x0  }
0x14: {  	s2 =	sld [smem:$0x3F90];
	s0 =	simm.s32 @p1 $0x1  }
0x15: {  	[smem:$0x3FAD] =	sst s0;
	s0 =	simm.s32 @!p2 $0x0  }
0x16: {  	s3 =	sld [smem:$0x3FDB];
	s0 =	simm.s32 @p2 $0x1  }
0x17: {  	s4 =	simm.s32 $0x1BF5;
	[smem:$0x3FAF] =	sst s0  }
0x18: {  	s0 =	sld [smem:$0x3F92];
	_ =	swait.ge [sflag:s4], $0x0  }
0x19: {  	s7 =	sld [smem:$0x3F93]  }
0x1a: {  	s8 =	sadd.s32 $0xFFFFE003, lr  }
0x1b: {  	s9 =	sadd.s32 $0xFFFFFEF7, lr;
	s5 =	simm.s32 $0xFFFFFFFF;
	p2 =	slt.u32 s8, $0xFFFFF086  }
0x1c: {  	p1 =	slt.u32 s9, $0xF7A;
	s5 =	simm.s32 @!p2 $0x0  }
0x1d: {  	s5 =	simm.s32 @p1 $0x1;
	p0 =	seq.s32 s7, s2  }
0x1e: {  	s7 =	smul.u32 @!p0 $0xF7A, s2;
	p2 =	seq.s32 @!p0 s5, $0x0  }
0x1f: {  	s9 =	smul.u32 $0xF7A, s1;
	s8 =	simm.s32 @!p0 $0x1BF5;
	p2 =	por !p2, p0  }
0x20: {  	[sflag:s8] =	ssyncset.s32 @!p0 $0xFFFFF086;
	s6 =	sadd.s32 @!p0 s3, s7;
	s7 =	simm.s32 @!p0 $0x108  }
0x21: {  	s3 =	sadd.s32 s3, s9;
	s6 =	sadd.s32 @!p0 $0x88, s6;
	s7 =	simm.s32 @p2 $0x1082  }
0x22: {  	[simem:s7], [sflag:s8] =	dma.local @!p0 [hbm:s6], $0xF7A  }
0x23: {  	s9 =	sor.u32 $0xD0000000, s2;
	s6 =	simm.s32 $0x108;
	_ =	swait.ge @!p0 [sflag:s8], $0x0  }
0x24: {  	s3 =	sadd.s32 $0x88, s3;
	s6 =	simm.s32 @!p1 $0x1082;
	[sflag:s4] =	ssyncset.s32 $0xFFFFF086  }
0x25: {  	[simem:s6], [sflag:s4] =	dma.local [hbm:s3], $0xF7A  }
0x26: {  	[smem:$0x3F93] =	sst s1;
	(tag) =	ssettag s2;
	_ =	strace s9  }
0x27: {  	s1 =	sld [smem:$0x3FA3]  }
0x28: {  	s2 =	sld [smem:$0x3FA4]  }
0x29: {  	s4 =	sld [smem:$0x3FA6]  }
0x2a: {  	p0 =	seq.s32 s5, $0x0;
	s5 =	sld [smem:$0x3FA7]  }
0x2b: {  	s6 =	sld [smem:$0x3FA8]  }
0x2c: {  	s7 =	sld [smem:$0x3FA9]  }
0x2d: {  	s3 =	simm.s32 $0x108;
	s8 =	sld [smem:$0x3FAA]  }
0x2e: {  	s3 =	simm.s32 @!p0 $0x1082;
	s9 =	sld [smem:$0x3FAB]  }
0x2f: {  	lr =	sadd.s32 s0, s3;
	s0 =	sld [smem:$0x3FA2]  }
0x30: {  	s3 =	sld [smem:$0x3FA5]  }
0x31: {  	[smem:$0x3FAE] =	sst s10  }
0x32: {  	s10 =	sld [smem:$0x3FAC];
	_ =	sdelay $0x3  }
0x33: {  	p0 =	seq.s32 s10, $0x1;
	s10 =	sld [smem:$0x3FAE];
	_ =	sdelay $0x3  }
0x34: {  	[smem:$0x3FAE] =	sst s10  }
0x35: {  	s10 =	sld [smem:$0x3FAD];
	_ =	sdelay $0x3  }
0x36: {  	p1 =	seq.s32 s10, $0x1;
	s10 =	sld [smem:$0x3FAE];
	_ =	sdelay $0x3  }
0x37: {  	[smem:$0x3FAE] =	sst s10  }
0x38: {  	s10 =	sld [smem:$0x3FAF]  }
0x39: {  	_ = 	snop;
	(pc) =	sbr.ind lr, $3  }
0x3a: {  	_ = 	snop  }
0x3b: {  	_ = 	snop  }
0x3c: {  	p2 =	seq.s32 s10, $0x1;
	s10 =	sld [smem:$0x3FAE]  }
0x3d: {  	_ =	shalt  }
0x3e: {  	_ =	shalt  }
0x3f: {  	_ =	shalt  }
0x40: {  	_ =	shalt  }
0x41: {  	_ =	shalt  }
0x42: {  	_ =	shalt  }
0x43: {  	_ =	shalt  }
0x44: {  	_ =	shalt  }
0x45: {  	_ =	shalt  }
0x46: {  	_ =	shalt  }
0x47: {  	_ =	shalt  }
0x48: {  	_ =	shalt  }
0x49: {  	_ =	shalt  }
0x4a: {  	_ =	shalt  }
0x4b: {  	_ =	shalt  }
0x4c: {  	_ =	shalt  }
0x4d: {  	_ =	shalt  }
0x4e: {  	_ =	shalt  }
0x4f: {  	_ =	shalt  }
0x50: {  	_ =	shalt  }
0x51: {  	_ =	shalt  }
0x52: {  	_ =	shalt  }
0x53: {  	_ =	shalt  }
0x54: {  	_ =	shalt  }
0x55: {  	_ =	shalt  }
0x56: {  	_ =	shalt  }
0x57: {  	_ =	shalt  }
0x58: {  	_ =	shalt  }
0x59: {  	_ =	shalt  }
0x5a: {  	_ =	shalt  }
0x5b: {  	_ =	shalt  }
0x5c: {  	_ =	shalt  }
0x5d: {  	_ =	shalt  }
0x5e: {  	_ =	shalt  }
0x5f: {  	_ =	shalt  }
0x60: {  	_ =	shalt  }
0x61: {  	_ =	shalt  }
0x62: {  	_ =	shalt  }
0x63: {  	_ =	shalt  }
0x64: {  	_ =	shalt  }
0x65: {  	_ =	shalt  }
0x66: {  	_ =	shalt  }
0x67: {  	_ =	shalt  }
0x68: {  	_ =	shalt  }
0x69: {  	_ =	shalt  }
0x6a: {  	_ =	shalt  }
0x6b: {  	_ =	shalt  }
0x6c: {  	_ =	shalt  }
0x6d: {  	_ =	shalt  }
0x6e: {  	_ =	shalt  }
0x6f: {  	_ =	shalt  }
0x70: {  	_ =	shalt  }
0x71: {  	_ =	shalt  }
0x72: {  	_ =	shalt  }
0x73: {  	_ =	shalt  }
0x74: {  	_ =	shalt  }
0x75: {  	_ =	shalt  }
0x76: {  	_ =	shalt  }
0x77: {  	_ =	shalt  }
0x78: {  	_ =	shalt  }
0x79: {  	_ =	shalt  }
0x7a: {  	_ =	shalt  }
0x7b: {  	_ =	shalt  }
0x7c: {  	_ =	shalt  }
0x7d: {  	_ =	shalt  }
0x7e: {  	_ =	shalt  }
0x7f: {  	_ =	shalt  }
0x80: {  	_ =	shalt  }
0x81: {  	_ =	shalt  }
0x82: {  	_ =	shalt  }
0x83: {  	_ =	shalt  }
0x84: {  	_ =	shalt  }
0x85: {  	_ =	shalt  }
0x86: {  	_ =	shalt  }
0x87: {  	_ =	shalt  }
.Lfunc_end0:
.L_simem_size_0:
called_computation.2_lowered:
.L_overlay_start_0:
0x88: {  	s2 =	sld [smem:$0x3FD9]  }
0x89: {  	s3 =	sld [smem:$0x3FFE];
	_ =	sdelay $0x1  }
0x8a: {  	s1 =	srdreg.scid  }
0x8b: {  	s0 =	sand.u32 $0x1, s1  }
0x8c: {  	s16 =	sshll.u32 s0, $0xA;
	s2 =	sadd.s32 s3, s2  }
0x8d: {  	s2 =	sadd.s32 s2, s16  }
0x8e: {  	[smem:$0x3FBA] =	sst s2  }
0x8f: {  	_ = 	snop  }
0x90: {  	(tm) =	ssettm $0x1  }
0x91: {  	s17 =	sld [smem:$0x3FFB];
	_ =	sdelay $0x3  }
0x92: {  	_ =	strace s17  }
0x93: {  	s2 =	sld [smem:$0x3FFC];
	_ =	sdelay $0x3  }
0x94: {  	_ =	strace s2  }
0x95: {  	s2 =	sld [smem:$0x3FFD];
	_ =	sdelay $0x3  }
0x96: {  	_ =	strace s2  }
0x97: {  	_ =	strace $0x8FFFFFFF  }
0x98: {  	s18 =	sld [smem:$0x3FDB];
	_ =	sdelay $0x1  }
0x99: {  	s19 =	simm.s32 $_scs_section_size  }
0x9a: {  	s4 =	simm.s32 $_size__tile_overlayer_lowered;
	s5 =	simm.s32 $_tile_overlayer_lowered  }
0x9b: {  	s22 =	simm.s32 $0x1BFF;
	s21 =	sshll.u32 s5, $0x1;
	s2 =	sadd.s32 s19, s18  }
0x9c: {  	s6 =	simm.s32 $0x0;
	s20 =	sshll.u32 s4, $0x1;
	s4 =	sadd.s32 s21, s2  }
0x9d: {  	[timem:s6], [sflag:s22] =	dma.local [hbm:s4], s20  }
0x9e: {  	_ =	swait.ge [sflag:s22], s20  }
0x9f: {  	s3 =	ssub.s32 $0x0, s20;
	[sflag:s22] =	ssyncset.done $0x0  }
0xa0: {  	[sflag:s22] =	ssyncadd.s32 s3;
	_ =	sdelay $0x1  }
0xa1: {  	s23 =	simm.s32 $0x1B8B  }
0xa2: {  	_ =	swait.ge [sflag:s23], $0x1  }
0xa3: {  	[sflag:s23] =	ssyncset.done $0x0  }
0xa4: {  	s25 =	simm.s32 $0x1B8E;
	s24 =	sld [smem:$0x3FFE];
	[sflag:s23] =	ssyncadd.s32 $0xFFFFFFFF  }
0xa5: {  	s26 =	simm.s32 $execute0_lowered;
	[smem:$0x3FD2] =	sst s25  }
0xa6: {  	s4 =	sshll.u32 s26, $0x1;
	_ =	strace $0x80000049;
	[dreg:$0x1] =	wrdreg $0xFFFFFFFF  }
0xa7: {  	s28 =	simm.s32 $_size_execute0_lowered;
	s2 =	sadd.s32 s2, s4;
	[dreg:$0x0] =	wrdreg $0x0  }
0xa8: {  	s4 =	sshll.u32 s28, $0x1;
	[dreg:$0x2] =	wrdreg s2  }
0xa9: {  	[dreg:$0x3] =	wrdreg s4  }
0xaa: {  	[dreg:$0x4] =	wrdreg $0xC0  }
0xab: {  	_ =	task [dreg:s6], $0x5FFFF  }
0xac: {  	[dreg:$0x1] =	wrdreg $0xFFFFFFFF  }
0xad: {  	[dreg:$0x0] =	wrdreg $0x60  }
0xae: {  	[dreg:$0x2] =	wrdreg s24  }
0xaf: {  	[dreg:$0x3] =	wrdreg $0x88000  }
0xb0: {  	[dreg:$0x4] =	wrdreg $0xA  }
0xb1: {  	_ =	task.clear_ibuf [dreg:s6], $0x5FFFF;
	_ =	strace $0x90000049  }
0xb2: {  	s29 =	simm.s32 $0xA;
	_ =	strace $0x8000004B  }
0xb3: {  	_ =	swait.ge [sflag:s29], $0x1  }
0xb4: {  	[sflag:s29] =	ssyncadd.s32 $0xFFFFFFFF  }
0xb5: {  	_ =	strace $0x9000004B  }
0xb6: {  	_ =	sfence  }
0xb7: {  	s30 =	sld [smem:$0x0];
	_ =	sdelay $0x2  }
0xb8: {  	s31 =	sshll.u32 s1, $0xD;
	s1 =	sshrl.u32 s1, $0x2  }
0xb9: {  	s3 =	sand.u32 $0x4000, s31;
	s1 =	sadd.s32 s1, s30  }
0xba: {  	s0 =	sor.u32 s3, s0;
	s1 =	sshll.u32 s1, $0x11  }
0xbb: {  	s0 =	sor.u32 s1, s0  }
0xbc: {  	s0 =	sadd.s32 $0x8F2B, s0  }
0xbd: {  	[sflag:s0] =	ssyncadd.remote.s32 $0x1  }
0xbe: {  	_ =	sfence.sel $0xFFFF  }
0xbf: {  	[dreg:$0x0] =	wrdreg $0xFFFFFFFF;
	(pc) =	sbr.abs _section_cstart, $3  }
0xc0: {  	[dreg:$0x1] =	wrdreg $0xFFFFFFFF  }
0xc1: {  	_ =	task.clear_ibuf [dreg:s6], $0x2FFFF;
	_ =	strace $0x9FFFFFFF  }
0xc2: {  	(tm) =	ssettm $0x7FFFFFFF  }
0xc3: {  	_ =	shalt  }
tec
execute0_lowered:
.L_overlay_start_1:
0x0: {  	(tag) =	ssettag $0x1  }
0x1: {  	s0 =	rddreg [dreg:$0x0]  }
0x2: {  	s1 =	rddreg [dreg:$0x1];
	s2 =	srdreg.scid;
	s3 =	simm.s32 $0x0  }
0x3: {  	s12 =	stileid.u32;
	s13 =	simm.s32 $0xA;
	s14 =	simm.s32 $0x40  }
0x4: {  	s15 =	simm.s32 $0x800;
	s17 =	simm.s32 $0x2800;
	s6 =	smul.u32 $0x14000, s12  }
0x5: {  	s28 =	simm.s32 $0x300;
	s29 =	simm.s32 $0x4;
	s7 =	smul.u32 $0x50000, s12  }
0x6: {  	s30 =	simm.s32 $0x380;
	s31 =	simm.s32 $0x5;
	s9 =	smul.u32 $0x2800, s12  }
0x7: {  	s2 =	sand.u32 $0x1, s2;
	[smem:$0x7FF] =	sst s3;
	s11 =	smul.u32 $0x13C00, s12  }
0x8: {  	s4 =	sadd.s32 $0x79800, s0;
	s8 =	sadd.s32 $0x2A800, s0;
	s5 =	smul.u32 $0x140000, s2  }
0x9: {  	s22 =	sshll.u32 s12, $0x6;
	_ =	strace $0x8000004A;
	s19 =	smul.u32 $0x28000, s2  }
0xa: {  	s20 =	ssub.s32 $0x2, s2;
	s2 =	smul.u32 $0x13C000, s2;
	s7 =	sshrl.u32 s7, $0x2  }
0xb: {  	s10 =	sshrl.u32 s20, $0x1;
	s5 =	sadd.s32 s6, s5;
	s21 =	sadd.s32 s7, s1  }
0xc: {  	s6 =	sadd.s32 s9, s19;
	s2 =	sadd.s32 s11, s2;
	s11 =	simm.s32 $0x100  }
0xd: {  	s19 =	simm.s32 $0x4800;
	s9 =	simm.s32 $0x0;
	s5 =	sshrl.u32 s5, $0x3  }
0xe: {  	s6 =	sadd.s32 s4, s6;
	s23 =	sshrl.u32 s2, $0x3;
	s2 =	sadd.s32 $0x800, s2  }
0xf: {  	s12 =	sshrl.u32 s21, $0x3;
	s21 =	simm.s32 $0x6800;
	s0 =	sadd.s32 s5, s0  }
0x10: {  	s5 =	ssub.s32 s20, s10;
	[dreg:$0x3] =	wrdreg s6;
	s6 =	sor.u32 $0x1C0A, s22  }
0x11: {  	s7 =	sadd.s32 s8, s23;
	s24 =	sshrl.u32 s2, $0x3;
	s10 =	simm.s32 $0x80  }
0x12: {  	s20 =	simm.s32 $0x180;
	s22 =	simm.s32 $0x1;
	s23 =	simm.s32 $0x200  }
0x13: {  	s2 =	simm.s32 $0x7;
	s0 =	sadd.s32 $0xC9800, s0;
	[dreg:$0x4] =	wrdreg s7  }
0x14: {  	s25 =	smax.u32 s5, $0x1;
	s26 =	sadd.s32 $0x80, s7;
	[dreg:$0x5] =	wrdreg s0  }
0x15: {  	s16 =	sadd.s32 s24, s8;
	s24 =	simm.s32 $0x2;
	[dreg:$0x6] =	wrdreg s25  }
0x16: {  	s5 =	simm.s32 $0x8;
	s8 =	simm.s32 $0x9;
	[dreg:$0x7] =	wrdreg s26  }
0x17: {  	s25 =	simm.s32 $0x280;
	s26 =	simm.s32 $0x3;
	s0 =	simm.s32 $0x6  }
.LBB2_1:
0x18: {  	s7 =	rddreg [dreg:$0x3]  }
0x19: {  	[spmem:s12], [sflag:s6] =	dma.local [hbm:s7], $0x2800  }
0x1a: {  	_ =	swait.ge [sflag:s13], $0x2800  }
0x1b: {  	[sflag:s13] =	ssyncset.done $0x0  }
0x1c: {  	[sflag:s13] =	ssyncadd.s32 $0xFFFFD800  }
0x1d: {  	[bflag:$0x0] =	sbarrier.arrive $0xFFFF  }
0x1e: {  	s18 =	rddreg [dreg:$0x4]  }
0x1f: {  	[tilespmem:s3], [sflag:$0xA] =	stream.linear.gather [hbm4b:s18+s3], $0x400, $0x38;
	[tilespmem:$0x1C800] =	vst v63  }
0x20: {  	_ =	swait.ge [sflag:s13], $0x400  }
0x21: {  	[sflag:s13] =	ssyncset.done $0x0  }
0x22: {  	[sflag:s13] =	ssyncadd.s32 $0xFFFFFC00  }
0x23: {  	[tilespmem:s15], [sflag:$0x1] =	stream.indirect.gather [hbm4b:s4+s14], $0x80, s3, s14, $0xb8;
	[tilespmem:$0x1C800] =	vst v63  }
0x24: {  	_ = 	snop  }
0x25: {  	[tilespmem:s17], [sflag:$0x2] =	stream.indirect.gather [hbm4b:s4+s14], $0x80, s10, s14, $0xb8;
	[tilespmem:$0x1C800] =	vst v63  }
0x26: {  	_ = 	snop  }
0x27: {  	[tilespmem:s19], [sflag:$0x3] =	stream.indirect.gather [hbm4b:s4+s14], $0x80, s11, s14, $0xb8;
	[tilespmem:$0x1C800] =	vst v63  }
0x28: {  	_ = 	snop  }
0x29: {  	[tilespmem:s21], [sflag:$0x4] =	stream.indirect.gather [hbm4b:s4+s14], $0x80, s20, s14, $0xb8;
	[tilespmem:$0x1C800] =	vst v63  }
0x2a: {  	s18 =	simm.s32 $0x400;
	s11 =	rddreg [dreg:$0x7]  }
0x2b: {  	[tilespmem:s18], [sflag:$0x9] =	stream.linear.gather [hbm4b:s11+s3], $0x400, $0x38;
	[tilespmem:$0x1C800] =	vst v63  }
0x2c: {  	_ =	swait.ge [sflag:s22], $0x2000  }
0x2d: {  	[sflag:s22] =	ssyncset.done $0x0  }
0x2e: {  	[sflag:s22] =	ssyncadd.s32 $0xFFFFE000  }
0x2f: {  	[spmem:s1] =	stream.indirect.scatter.add.f32 [tilespmem:s15], [sflag:$0x5], $0x80, s23, s14, $0xb8;
	[tilespmem:$0x1C800] =	vst v63  }
0x30: {  	_ =	swait.ge [sflag:s24], $0x2000  }
0x31: {  	[sflag:s24] =	ssyncset.done $0x0  }
0x32: {  	[sflag:s24] =	ssyncadd.s32 $0xFFFFE000  }
0x33: {  	[spmem:s1] =	stream.indirect.scatter.add.f32 [tilespmem:s17], [sflag:$0x6], $0x80, s25, s14, $0xb8;
	[tilespmem:$0x1C800] =	vst v63  }
0x34: {  	_ =	swait.ge [sflag:s26], $0x2000  }
0x35: {  	[sflag:s26] =	ssyncset.done $0x0  }
0x36: {  	[sflag:s26] =	ssyncadd.s32 $0xFFFFE000  }
0x37: {  	[spmem:s1] =	stream.indirect.scatter.add.f32 [tilespmem:s19], [sflag:$0x7], $0x80, s28, s14, $0xb8;
	[tilespmem:$0x1C800] =	vst v63  }
0x38: {  	_ =	swait.ge [sflag:s29], $0x2000  }
0x39: {  	[sflag:s29] =	ssyncset.done $0x0  }
0x3a: {  	[sflag:s29] =	ssyncadd.s32 $0xFFFFE000  }
0x3b: {  	[spmem:s1] =	stream.indirect.scatter.add.f32 [tilespmem:s21], [sflag:$0x8], $0x80, s30, s14, $0xb8;
	[tilespmem:$0x1C800] =	vst v63  }
0x3c: {  	_ =	swait.ge [sflag:s31], $0x2000  }
0x3d: {  	[sflag:s31] =	ssyncset.done $0x0  }
0x3e: {  	[sflag:s31] =	ssyncadd.s32 $0xFFFFE000  }
0x3f: {  	_ =	swait.ge [sflag:s0], $0x2000  }
0x40: {  	[sflag:s0] =	ssyncset.done $0x0  }
0x41: {  	[sflag:s0] =	ssyncadd.s32 $0xFFFFE000  }
0x42: {  	_ =	swait.ge [sflag:s2], $0x2000  }
0x43: {  	[sflag:s2] =	ssyncset.done $0x0  }
0x44: {  	[sflag:s2] =	ssyncadd.s32 $0xFFFFE000  }
0x45: {  	_ =	swait.ge [sflag:s5], $0x2000  }
0x46: {  	[sflag:s5] =	ssyncset.done $0x0  }
0x47: {  	[sflag:s5] =	ssyncadd.s32 $0xFFFFE000  }
0x48: {  	_ =	swait.ge [sflag:s8], $0x400  }
0x49: {  	[sflag:s8] =	ssyncset.done $0x0  }
0x4a: {  	s10 =	sand.u32 $0x400, s18;
	[sflag:s8] =	ssyncadd.s32 $0xFFFFFC00  }
0x4b: {  	[tilespmem:s15], [sflag:$0x1] =	stream.indirect.gather [hbm4b:s4+s14], $0x80, s10, s14, $0xb8;
	[tilespmem:$0x1C800] =	vst v63  }
0x4c: {  	s18 =	sor.u32 $0x80, s10  }
0x4d: {  	[tilespmem:s17], [sflag:$0x2] =	stream.indirect.gather [hbm4b:s4+s14], $0x80, s18, s14, $0xb8;
	[tilespmem:$0x1C800] =	vst v63  }
0x4e: {  	s7 =	sor.u32 $0x100, s10  }
0x4f: {  	[tilespmem:s19], [sflag:$0x3] =	stream.indirect.gather [hbm4b:s4+s14], $0x80, s7, s14, $0xb8;
	[tilespmem:$0x1C800] =	vst v63  }
0x50: {  	s18 =	sor.u32 $0x180, s10  }
0x51: {  	[tilespmem:s21], [sflag:$0x4] =	stream.indirect.gather [hbm4b:s4+s14], $0x80, s18, s14, $0xb8;
	[tilespmem:$0x1C800] =	vst v63  }
0x52: {  	s7 =	sxor.u32 $0x400, s10  }
0x53: {  	[tilespmem:s7], [sflag:$0x9] =	stream.linear.gather [hbm4b:s16+s3], $0x400, $0x38;
	[tilespmem:$0x1C800] =	vst v63  }
0x54: {  	_ =	swait.ge [sflag:s22], $0x2000  }
0x55: {  	[sflag:s22] =	ssyncset.done $0x0  }
0x56: {  	s18 =	sor.u32 $0x200, s10;
	[sflag:s22] =	ssyncadd.s32 $0xFFFFE000  }
0x57: {  	[spmem:s1] =	stream.indirect.scatter.add.f32 [tilespmem:s15], [sflag:$0x5], $0x80, s18, s14, $0xb8;
	[tilespmem:$0x1C800] =	vst v63  }
0x58: {  	_ =	swait.ge [sflag:s24], $0x2000  }
0x59: {  	[sflag:s24] =	ssyncset.done $0x0  }
0x5a: {  	s7 =	sor.u32 $0x280, s10;
	[sflag:s24] =	ssyncadd.s32 $0xFFFFE000  }
0x5b: {  	[spmem:s1] =	stream.indirect.scatter.add.f32 [tilespmem:s17], [sflag:$0x6], $0x80, s7, s14, $0xb8;
	[tilespmem:$0x1C800] =	vst v63  }
0x5c: {  	_ =	swait.ge [sflag:s26], $0x2000  }
0x5d: {  	[sflag:s26] =	ssyncset.done $0x0  }
0x5e: {  	s18 =	sor.u32 $0x300, s10;
	[sflag:s26] =	ssyncadd.s32 $0xFFFFE000  }
0x5f: {  	[spmem:s1] =	stream.indirect.scatter.add.f32 [tilespmem:s19], [sflag:$0x7], $0x80, s18, s14, $0xb8;
	[tilespmem:$0x1C800] =	vst v63  }
0x60: {  	_ =	swait.ge [sflag:s29], $0x2000  }
0x61: {  	[sflag:s29] =	ssyncset.done $0x0  }
0x62: {  	s10 =	sor.u32 $0x380, s10;
	[sflag:s29] =	ssyncadd.s32 $0xFFFFE000  }
0x63: {  	[spmem:s1] =	stream.indirect.scatter.add.f32 [tilespmem:s21], [sflag:$0x8], $0x80, s10, s14, $0xb8;
	[tilespmem:$0x1C800] =	vst v63  }
0x64: {  	_ =	swait.ge [sflag:s31], $0x2000  }
0x65: {  	[sflag:s31] =	ssyncset.done $0x0  }
0x66: {  	[sflag:s31] =	ssyncadd.s32 $0xFFFFE000  }
0x67: {  	_ =	swait.ge [sflag:s0], $0x2000  }
0x68: {  	[sflag:s0] =	ssyncset.done $0x0  }
0x69: {  	[sflag:s0] =	ssyncadd.s32 $0xFFFFE000  }
0x6a: {  	_ =	swait.ge [sflag:s2], $0x2000  }
0x6b: {  	[sflag:s2] =	ssyncset.done $0x0  }
0x6c: {  	[sflag:s2] =	ssyncadd.s32 $0xFFFFE000  }
0x6d: {  	_ =	swait.ge [sflag:s5], $0x2000  }
0x6e: {  	s11 =	smov.u32 s16;
	s10 =	simm.s32 $0x800;
	[sflag:s5] =	ssyncset.done $0x0  }
.LBB2_2:
0x6f: {  	p0 =	sne.s32 s10, $0x13400;
	[sflag:s5] =	ssyncadd.s32 $0xFFFFE000;
	s11 =	sadd.s32 $0x80, s11  }
0x70: {  	s18 =	smov.u32 s10;
	s10 =	sadd.s32 $0x400, s10;
	_ =	swait.ge [sflag:s8], $0x400  }
0x71: {  	[sflag:s8] =	ssyncset.done $0x0  }
0x72: {  	s18 =	sand.u32 $0x400, s18;
	[sflag:s8] =	ssyncadd.s32 $0xFFFFFC00  }
0x73: {  	[tilespmem:s15], [sflag:$0x1] =	stream.indirect.gather [hbm4b:s4+s14], $0x80, s18, s14, $0xb8;
	[tilespmem:$0x1C800] =	vst v63  }
0x74: {  	s7 =	sor.u32 $0x80, s18  }
0x75: {  	[tilespmem:s17], [sflag:$0x2] =	stream.indirect.gather [hbm4b:s4+s14], $0x80, s7, s14, $0xb8;
	[tilespmem:$0x1C800] =	vst v63  }
0x76: {  	s7 =	sor.u32 $0x100, s18  }
0x77: {  	[tilespmem:s19], [sflag:$0x3] =	stream.indirect.gather [hbm4b:s4+s14], $0x80, s7, s14, $0xb8;
	[tilespmem:$0x1C800] =	vst v63  }
0x78: {  	s7 =	sor.u32 $0x180, s18  }
0x79: {  	[tilespmem:s21], [sflag:$0x4] =	stream.indirect.gather [hbm4b:s4+s14], $0x80, s7, s14, $0xb8;
	[tilespmem:$0x1C800] =	vst v63  }
0x7a: {  	s7 =	sxor.u32 $0x400, s18  }
0x7b: {  	[tilespmem:s7], [sflag:$0x9] =	stream.linear.gather [hbm4b:s11+s3], $0x400, $0x38;
	[tilespmem:$0x1C800] =	vst v63  }
0x7c: {  	_ =	swait.ge [sflag:s22], $0x2000  }
0x7d: {  	[sflag:s22] =	ssyncset.done $0x0  }
0x7e: {  	s7 =	sor.u32 $0x200, s18;
	[sflag:s22] =	ssyncadd.s32 $0xFFFFE000  }
0x7f: {  	[spmem:s1] =	stream.indirect.scatter.add.f32 [tilespmem:s15], [sflag:$0x5], $0x80, s7, s14, $0xb8;
	[tilespmem:$0x1C800] =	vst v63  }
0x80: {  	_ =	swait.ge [sflag:s24], $0x2000  }
0x81: {  	[sflag:s24] =	ssyncset.done $0x0  }
0x82: {  	s7 =	sor.u32 $0x280, s18;
	[sflag:s24] =	ssyncadd.s32 $0xFFFFE000  }
0x83: {  	[spmem:s1] =	stream.indirect.scatter.add.f32 [tilespmem:s17], [sflag:$0x6], $0x80, s7, s14, $0xb8;
	[tilespmem:$0x1C800] =	vst v63  }
0x84: {  	_ =	swait.ge [sflag:s26], $0x2000  }
0x85: {  	[sflag:s26] =	ssyncset.done $0x0  }
0x86: {  	s7 =	sor.u32 $0x300, s18;
	[sflag:s26] =	ssyncadd.s32 $0xFFFFE000  }
0x87: {  	[spmem:s1] =	stream.indirect.scatter.add.f32 [tilespmem:s19], [sflag:$0x7], $0x80, s7, s14, $0xb8;
	[tilespmem:$0x1C800] =	vst v63  }
0x88: {  	_ =	swait.ge [sflag:s29], $0x2000  }
0x89: {  	[sflag:s29] =	ssyncset.done $0x0  }
0x8a: {  	s7 =	sor.u32 $0x380, s18;
	[sflag:s29] =	ssyncadd.s32 $0xFFFFE000  }
0x8b: {  	[spmem:s1] =	stream.indirect.scatter.add.f32 [tilespmem:s21], [sflag:$0x8], $0x80, s7, s14, $0xb8;
	[tilespmem:$0x1C800] =	vst v63  }
0x8c: {  	_ =	swait.ge [sflag:s31], $0x2000  }
0x8d: {  	[sflag:s31] =	ssyncset.done $0x0  }
0x8e: {  	[sflag:s31] =	ssyncadd.s32 $0xFFFFE000  }
0x8f: {  	_ =	swait.ge [sflag:s0], $0x2000  }
0x90: {  	[sflag:s0] =	ssyncset.done $0x0  }
0x91: {  	[sflag:s0] =	ssyncadd.s32 $0xFFFFE000  }
.Ltmp0:
0x92: {  	_ =	swait.ge [sflag:s2], $0x2000;
	(pc) =	sbr.rel @p0 .LBB2_2-.Ltmp0, $4  }
0x93: {  	[sflag:s2] =	ssyncset.done $0x0  }
0x94: {  	[sflag:s2] =	ssyncadd.s32 $0xFFFFE000  }
0x95: {  	_ =	swait.ge [sflag:s5], $0x2000  }
0x96: {  	[sflag:s5] =	ssyncset.done $0x0  }
0x97: {  	[sflag:s5] =	ssyncadd.s32 $0xFFFFE000  }
0x98: {  	_ =	swait.ge [sflag:s8], $0x400  }
0x99: {  	[sflag:s8] =	ssyncset.done $0x0  }
0x9a: {  	[sflag:s8] =	ssyncadd.s32 $0xFFFFFC00  }
0x9b: {  	[tilespmem:s15], [sflag:$0x1] =	stream.indirect.gather [hbm4b:s4+s14], $0x80, s3, s14, $0xb8;
	[tilespmem:$0x1C800] =	vst v63  }
0x9c: {  	s10 =	simm.s32 $0x80  }
0x9d: {  	[tilespmem:s17], [sflag:$0x2] =	stream.indirect.gather [hbm4b:s4+s14], $0x80, s10, s14, $0xb8;
	[tilespmem:$0x1C800] =	vst v63  }
0x9e: {  	s11 =	simm.s32 $0x100  }
0x9f: {  	[tilespmem:s19], [sflag:$0x3] =	stream.indirect.gather [hbm4b:s4+s14], $0x80, s11, s14, $0xb8;
	[tilespmem:$0x1C800] =	vst v63  }
0xa0: {  	_ = 	snop  }
0xa1: {  	[tilespmem:s21], [sflag:$0x4] =	stream.indirect.gather [hbm4b:s4+s14], $0x80, s20, s14, $0xb8;
	[tilespmem:$0x1C800] =	vst v63  }
0xa2: {  	_ =	swait.ge [sflag:s22], $0x2000  }
0xa3: {  	[sflag:s22] =	ssyncset.done $0x0  }
0xa4: {  	[sflag:s22] =	ssyncadd.s32 $0xFFFFE000  }
0xa5: {  	[spmem:s1] =	stream.indirect.scatter.add.f32 [tilespmem:s15], [sflag:$0x5], $0x80, s23, s14, $0xb8;
	[tilespmem:$0x1C800] =	vst v63  }
0xa6: {  	_ =	swait.ge [sflag:s24], $0x2000  }
0xa7: {  	[sflag:s24] =	ssyncset.done $0x0  }
0xa8: {  	[sflag:s24] =	ssyncadd.s32 $0xFFFFE000  }
0xa9: {  	[spmem:s1] =	stream.indirect.scatter.add.f32 [tilespmem:s17], [sflag:$0x6], $0x80, s25, s14, $0xb8;
	[tilespmem:$0x1C800] =	vst v63  }
0xaa: {  	_ =	swait.ge [sflag:s26], $0x2000  }
0xab: {  	[sflag:s26] =	ssyncset.done $0x0  }
0xac: {  	[sflag:s26] =	ssyncadd.s32 $0xFFFFE000  }
0xad: {  	[spmem:s1] =	stream.indirect.scatter.add.f32 [tilespmem:s19], [sflag:$0x7], $0x80, s28, s14, $0xb8;
	[tilespmem:$0x1C800] =	vst v63  }
0xae: {  	_ =	swait.ge [sflag:s29], $0x2000  }
0xaf: {  	[sflag:s29] =	ssyncset.done $0x0  }
0xb0: {  	[sflag:s29] =	ssyncadd.s32 $0xFFFFE000  }
0xb1: {  	[spmem:s1] =	stream.indirect.scatter.add.f32 [tilespmem:s21], [sflag:$0x8], $0x80, s30, s14, $0xb8;
	[tilespmem:$0x1C800] =	vst v63  }
0xb2: {  	_ =	swait.ge [sflag:s31], $0x2000  }
0xb3: {  	[sflag:s31] =	ssyncset.done $0x0  }
0xb4: {  	[sflag:s31] =	ssyncadd.s32 $0xFFFFE000  }
0xb5: {  	_ =	swait.ge [sflag:s0], $0x2000  }
0xb6: {  	[sflag:s0] =	ssyncset.done $0x0  }
0xb7: {  	[sflag:s0] =	ssyncadd.s32 $0xFFFFE000  }
0xb8: {  	_ =	swait.ge [sflag:s2], $0x2000  }
0xb9: {  	[sflag:s2] =	ssyncset.done $0x0  }
0xba: {  	[sflag:s2] =	ssyncadd.s32 $0xFFFFE000  }
0xbb: {  	_ =	swait.ge [sflag:s5], $0x2000  }
0xbc: {  	[sflag:s5] =	ssyncset.done $0x0  }
0xbd: {  	[sflag:s5] =	ssyncadd.s32 $0xFFFFE000  }
0xbe: {  	[bflag:$0x0] =	sbarrier.arrive $0xFFFF  }
0xbf: {  	s7 =	rddreg [dreg:$0x5]  }
0xc0: {  	[hbm:s7], [sflag:s6] =	dma.local [spmem:s12], $0x2800  }
0xc1: {  	_ =	swait.ge [sflag:s13], $0x2800  }
0xc2: {  	s9 =	sadd.s32 $0x1, s9;
	s18 =	rddreg [dreg:$0x6]  }
0xc3: {  	p0 =	sne.s32 s9, s18  }
.Ltmp1:
0xc4: {  	_ = 	snop;
	(pc) =	sbr.rel @p0 .LBB2_1-.Ltmp1, $3  }
0xc5: {  	_ =	sdelay $0x1  }
0xc6: {  	[sflag:s13] =	ssyncset.done $0x0  }
0xc7: {  	[sflag:s13] =	ssyncadd.s32 $0xFFFFD800  }
0xc8: {  	_ =	sfence.sel $0x180000  }
0xc9: {  	[bflag:$0x0] =	sbarrier.arrive $0xFFFF  }
0xca: {  	_ =	strace $0x9000004A  }
0xcb: {  	s0 =	stileid.u32;
	[bflag:$0x2] =	sbarrier.arrive $0xFFFF  }
0xcc: {  	p0 =	sne.s32 s0, $0x0;
	s0 =	rddreg [dreg:$0x2]  }
0xcd: {  	s0 =	sadd.s32 @!p0 $0x100000, s0  }
0xce: {  	[sflag:s0] =	ssyncadd.tile.s32 @!p0 $0x1;
	_ =	shalt  }
.Lfunc_end2:
_tile_overlayer_lowered:
.L_overlay_start_2:
0xcf: {  	(tag) =	ssettag $0x2  }
0xd0: {  	s0 =	rddreg [dreg:$0x0];
	s2 =	stileid.u32  }
0xd1: {  	s1 =	rddreg [dreg:$0x1];
	p0 =	sne.s32 s2, $0x0  }
0xd2: {  	s3 =	rddreg [dreg:$0x2];
	[bflag:$0x3] =	sbarrier.arrive $0xFFFF;
	s2 =	simm.s32 @!p0 $0x1C0A  }
0xd3: {  	[timem:s3], [sflag:s2] =	dma.local @!p0 [hbm:s0], s1  }
0xd4: {  	s0 =	simm.s32 @!p0 $0xA  }
0xd5: {  	_ =	swait.ge @!p0 [sflag:s0], s1  }
0xd6: {  	s1 =	ssub.s32 @!p0 $0x0, s1;
	[sflag:s0] =	ssyncset.done @!p0 $0x0  }
0xd7: {  	[sflag:s0] =	ssyncadd.s32 @!p0 s1  }
0xd8: {  	[bflag:$0x3] =	sbarrier.arrive $0xFFFF  }
0xd9: {  	_ =	shalt  }

// kernel: kernel.21.cloned.1.call-start
scs
__scs_entry_jumppad:
0x0: {  	(pc) =	sbr.rel $0x88, $3  }
0x1: {  	(tag) =	ssettag $0x0;
	lr =	simm.s32 $0x1  }
0x2: {  	[smem:$0x3F93] =	sst lr;
	_ =	strace $0xD0000000  }
0x3: {  	_ = 	snop  }
0x4: {  	_ = 	snop  }
0x5: {  	_ = 	snop  }
0x6: {  	_ = 	snop  }
0x7: {  	_ = 	snop  }
__scs_overlays_trampoline_lowered:
0x8: {  	[smem:$0x3FA2] =	sst s0  }
0x9: {  	[smem:$0x3FA3] =	sst s1  }
0xa: {  	[smem:$0x3FA4] =	sst s2  }
0xb: {  	[smem:$0x3FA5] =	sst s3  }
0xc: {  	[smem:$0x3FA6] =	sst s4  }
0xd: {  	[smem:$0x3FA7] =	sst s5  }
0xe: {  	[smem:$0x3FA8] =	sst s6  }
0xf: {  	[smem:$0x3FA9] =	sst s7  }
0x10: {  	[smem:$0x3FAA] =	sst s8  }
0x11: {  	[smem:$0x3FAB] =	sst s9;
	s0 =	simm.s32 @!p0 $0x0  }
0x12: {  	s1 =	sld [smem:$0x3F91];
	s0 =	simm.s32 @p0 $0x1  }
0x13: {  	[smem:$0x3FAC] =	sst s0;
	s0 =	simm.s32 @!p1 $0x0  }
0x14: {  	s2 =	sld [smem:$0x3F90];
	s0 =	simm.s32 @p1 $0x1  }
0x15: {  	[smem:$0x3FAD] =	sst s0;
	s0 =	simm.s32 @!p2 $0x0  }
0x16: {  	s3 =	sld [smem:$0x3FDB];
	s0 =	simm.s32 @p2 $0x1  }
0x17: {  	s4 =	simm.s32 $0x1BF5;
	[smem:$0x3FAF] =	sst s0  }
0x18: {  	s0 =	sld [smem:$0x3F92];
	_ =	swait.ge [sflag:s4], $0x0  }
0x19: {  	s7 =	sld [smem:$0x3F93]  }
0x1a: {  	s8 =	sadd.s32 $0xFFFFE003, lr  }
0x1b: {  	s9 =	sadd.s32 $0xFFFFFEF7, lr;
	s5 =	simm.s32 $0xFFFFFFFF;
	p2 =	slt.u32 s8, $0xFFFFF086  }
0x1c: {  	p1 =	slt.u32 s9, $0xF7A;
	s5 =	simm.s32 @!p2 $0x0  }
0x1d: {  	s5 =	simm.s32 @p1 $0x1;
	p0 =	seq.s32 s7, s2  }
0x1e: {  	s7 =	smul.u32 @!p0 $0xF7A, s2;
	p2 =	seq.s32 @!p0 s5, $0x0  }
0x1f: {  	s9 =	smul.u32 $0xF7A, s1;
	s8 =	simm.s32 @!p0 $0x1BF5;
	p2 =	por !p2, p0  }
0x20: {  	[sflag:s8] =	ssyncset.s32 @!p0 $0xFFFFF086;
	s6 =	sadd.s32 @!p0 s3, s7;
	s7 =	simm.s32 @!p0 $0x108  }
0x21: {  	s3 =	sadd.s32 s3, s9;
	s6 =	sadd.s32 @!p0 $0x88, s6;
	s7 =	simm.s32 @p2 $0x1082  }
0x22: {  	[simem:s7], [sflag:s8] =	dma.local @!p0 [hbm:s6], $0xF7A  }
0x23: {  	s9 =	sor.u32 $0xD0000000, s2;
	s6 =	simm.s32 $0x108;
	_ =	swait.ge @!p0 [sflag:s8], $0x0  }
0x24: {  	s3 =	sadd.s32 $0x88, s3;
	s6 =	simm.s32 @!p1 $0x1082;
	[sflag:s4] =	ssyncset.s32 $0xFFFFF086  }
0x25: {  	[simem:s6], [sflag:s4] =	dma.local [hbm:s3], $0xF7A  }
0x26: {  	[smem:$0x3F93] =	sst s1;
	(tag) =	ssettag s2;
	_ =	strace s9  }
0x27: {  	s1 =	sld [smem:$0x3FA3]  }
0x28: {  	s2 =	sld [smem:$0x3FA4]  }
0x29: {  	s4 =	sld [smem:$0x3FA6]  }
0x2a: {  	p0 =	seq.s32 s5, $0x0;
	s5 =	sld [smem:$0x3FA7]  }
0x2b: {  	s6 =	sld [smem:$0x3FA8]  }
0x2c: {  	s7 =	sld [smem:$0x3FA9]  }
0x2d: {  	s3 =	simm.s32 $0x108;
	s8 =	sld [smem:$0x3FAA]  }
0x2e: {  	s3 =	simm.s32 @!p0 $0x1082;
	s9 =	sld [smem:$0x3FAB]  }
0x2f: {  	lr =	sadd.s32 s0, s3;
	s0 =	sld [smem:$0x3FA2]  }
0x30: {  	s3 =	sld [smem:$0x3FA5]  }
0x31: {  	[smem:$0x3FAE] =	sst s10  }
0x32: {  	s10 =	sld [smem:$0x3FAC];
	_ =	sdelay $0x3  }
0x33: {  	p0 =	seq.s32 s10, $0x1;
	s10 =	sld [smem:$0x3FAE];
	_ =	sdelay $0x3  }
0x34: {  	[smem:$0x3FAE] =	sst s10  }
0x35: {  	s10 =	sld [smem:$0x3FAD];
	_ =	sdelay $0x3  }
0x36: {  	p1 =	seq.s32 s10, $0x1;
	s10 =	sld [smem:$0x3FAE];
	_ =	sdelay $0x3  }
0x37: {  	[smem:$0x3FAE] =	sst s10  }
0x38: {  	s10 =	sld [smem:$0x3FAF]  }
0x39: {  	_ = 	snop;
	(pc) =	sbr.ind lr, $3  }
0x3a: {  	_ = 	snop  }
0x3b: {  	_ = 	snop  }
0x3c: {  	p2 =	seq.s32 s10, $0x1;
	s10 =	sld [smem:$0x3FAE]  }
0x3d: {  	_ =	shalt  }
0x3e: {  	_ =	shalt  }
0x3f: {  	_ =	shalt  }
0x40: {  	_ =	shalt  }
0x41: {  	_ =	shalt  }
0x42: {  	_ =	shalt  }
0x43: {  	_ =	shalt  }
0x44: {  	_ =	shalt  }
0x45: {  	_ =	shalt  }
0x46: {  	_ =	shalt  }
0x47: {  	_ =	shalt  }
0x48: {  	_ =	shalt  }
0x49: {  	_ =	shalt  }
0x4a: {  	_ =	shalt  }
0x4b: {  	_ =	shalt  }
0x4c: {  	_ =	shalt  }
0x4d: {  	_ =	shalt  }
0x4e: {  	_ =	shalt  }
0x4f: {  	_ =	shalt  }
0x50: {  	_ =	shalt  }
0x51: {  	_ =	shalt  }
0x52: {  	_ =	shalt  }
0x53: {  	_ =	shalt  }
0x54: {  	_ =	shalt  }
0x55: {  	_ =	shalt  }
0x56: {  	_ =	shalt  }
0x57: {  	_ =	shalt  }
0x58: {  	_ =	shalt  }
0x59: {  	_ =	shalt  }
0x5a: {  	_ =	shalt  }
0x5b: {  	_ =	shalt  }
0x5c: {  	_ =	shalt  }
0x5d: {  	_ =	shalt  }
0x5e: {  	_ =	shalt  }
0x5f: {  	_ =	shalt  }
0x60: {  	_ =	shalt  }
0x61: {  	_ =	shalt  }
0x62: {  	_ =	shalt  }
0x63: {  	_ =	shalt  }
0x64: {  	_ =	shalt  }
0x65: {  	_ =	shalt  }
0x66: {  	_ =	shalt  }
0x67: {  	_ =	shalt  }
0x68: {  	_ =	shalt  }
0x69: {  	_ =	shalt  }
0x6a: {  	_ =	shalt  }
0x6b: {  	_ =	shalt  }
0x6c: {  	_ =	shalt  }
0x6d: {  	_ =	shalt  }
0x6e: {  	_ =	shalt  }
0x6f: {  	_ =	shalt  }
0x70: {  	_ =	shalt  }
0x71: {  	_ =	shalt  }
0x72: {  	_ =	shalt  }
0x73: {  	_ =	shalt  }
0x74: {  	_ =	shalt  }
0x75: {  	_ =	shalt  }
0x76: {  	_ =	shalt  }
0x77: {  	_ =	shalt  }
0x78: {  	_ =	shalt  }
0x79: {  	_ =	shalt  }
0x7a: {  	_ =	shalt  }
0x7b: {  	_ =	shalt  }
0x7c: {  	_ =	shalt  }
0x7d: {  	_ =	shalt  }
0x7e: {  	_ =	shalt  }
0x7f: {  	_ =	shalt  }
0x80: {  	_ =	shalt  }
0x81: {  	_ =	shalt  }
0x82: {  	_ =	shalt  }
0x83: {  	_ =	shalt  }
0x84: {  	_ =	shalt  }
0x85: {  	_ =	shalt  }
0x86: {  	_ =	shalt  }
0x87: {  	_ =	shalt  }
.Lfunc_end0:
.L_simem_size_0:
called_computation.3_lowered:
.L_overlay_start_0:
0x88: {  	s2 =	sld [smem:$0x3FD9]  }
0x89: {  	s3 =	sld [smem:$0x3FFE];
	_ =	sdelay $0x1  }
0x8a: {  	s1 =	srdreg.scid  }
0x8b: {  	s0 =	sand.u32 $0x1, s1  }
0x8c: {  	s17 =	sshll.u32 s0, $0xA;
	s2 =	sadd.s32 s3, s2  }
0x8d: {  	s2 =	sadd.s32 s2, s17  }
0x8e: {  	[smem:$0x3FBA] =	sst s2  }
0x8f: {  	_ = 	snop  }
0x90: {  	(tm) =	ssettm $0x1  }
0x91: {  	s18 =	sld [smem:$0x3FFB];
	_ =	sdelay $0x3  }
0x92: {  	_ =	strace s18  }
0x93: {  	s2 =	sld [smem:$0x3FFC];
	_ =	sdelay $0x3  }
0x94: {  	_ =	strace s2  }
0x95: {  	s2 =	sld [smem:$0x3FFD];
	_ =	sdelay $0x3  }
0x96: {  	_ =	strace s2  }
0x97: {  	_ =	strace $0x8FFFFFFF  }
0x98: {  	s19 =	sld [smem:$0x3FDB];
	_ =	sdelay $0x1  }
0x99: {  	s20 =	simm.s32 $_scs_section_size  }
0x9a: {  	s4 =	simm.s32 $_size__tile_overlayer_lowered;
	s5 =	simm.s32 $_tile_overlayer_lowered  }
0x9b: {  	s6 =	simm.s32 $0x1BFF;
	s21 =	sshll.u32 s5, $0x1;
	s3 =	sadd.s32 s20, s19  }
0x9c: {  	s22 =	simm.s32 $0x0;
	s4 =	sshll.u32 s4, $0x1;
	s5 =	sadd.s32 s21, s3  }
0x9d: {  	[timem:s22], [sflag:s6] =	dma.local [hbm:s5], s4  }
0x9e: {  	_ =	swait.ge [sflag:s6], s4  }
0x9f: {  	s4 =	ssub.s32 $0x0, s4;
	[sflag:s6] =	ssyncset.done $0x0  }
0xa0: {  	[sflag:s6] =	ssyncadd.s32 s4;
	_ =	sdelay $0x1  }
0xa1: {  	s23 =	simm.s32 $0x1B8B  }
0xa2: {  	_ =	swait.ge [sflag:s23], $0x1  }
0xa3: {  	[sflag:s23] =	ssyncset.done $0x0  }
0xa4: {  	[sflag:s23] =	ssyncadd.s32 $0xFFFFFFFF  }
0xa5: {  	s4 =	sld [smem:$0x0]  }
0xa6: {  	s5 =	sand.u32 $0xFFFFFFFE, s1  }
0xa7: {  	p0 =	sne.s32 s1, s5  }
0xa8: {  	s5 =	sshll.u32 @p0 s5, $0xE  }
0xa9: {  	s5 =	sadd.s32 @p0 $0x11B8D, s5;
	s6 =	sshll.u32 @p0 s4, $0x11  }
0xaa: {  	s5 =	sor.u32 @p0 s6, s5  }
0xab: {  	[sflag:s5] =	ssyncadd.remote.s32 @p0 $0x1;
	_ =	sdelay $0x1  }
0xac: {  	s5 =	simm.s32 @p0 $0x1B8D  }
0xad: {  	_ =	swait.eq @p0 [sflag:s5], $0x1  }
0xae: {  	[sflag:s5] =	ssyncadd.s32 @p0 $0xFFFFFFFF  }
0xaf: {  	s6 =	sshll.u32 @!p0 s1, $0xE  }
0xb0: {  	s6 =	sor.u32 @!p0 $0x4000, s6;
	s5 =	simm.s32 @!p0 $0x1B8D  }
0xb1: {  	s4 =	sshll.u32 @!p0 s4, $0x11;
	s6 =	sadd.s32 @!p0 $0x11B8D, s6;
	_ =	swait.eq @!p0 [sflag:s5], $0x1  }
0xb2: {  	s4 =	sor.u32 @!p0 s4, s6;
	[sflag:s5] =	ssyncadd.s32 @!p0 $0xFFFFFFFF  }
0xb3: {  	s25 =	simm.s32 $0x1B8E;
	s24 =	sld [smem:$0x3FFE];
	[sflag:s4] =	ssyncadd.remote.s32 @!p0 $0x1  }
0xb4: {  	s26 =	simm.s32 $execute0_lowered;
	[smem:$0x3FD2] =	sst s25  }
0xb5: {  	s5 =	sshll.u32 s26, $0x1;
	_ =	strace $0x8000004F;
	[dreg:$0x1] =	wrdreg $0xFFFFFFFF  }
0xb6: {  	s28 =	simm.s32 $_size_execute0_lowered;
	s3 =	sadd.s32 s3, s5;
	[dreg:$0x0] =	wrdreg $0x0  }
0xb7: {  	s5 =	sshll.u32 s28, $0x1;
	[dreg:$0x2] =	wrdreg s3  }
0xb8: {  	[dreg:$0x3] =	wrdreg s5  }
0xb9: {  	[dreg:$0x4] =	wrdreg $0xC0  }
0xba: {  	_ =	task [dreg:s22], $0x5FFFF  }
0xbb: {  	[dreg:$0x1] =	wrdreg $0xFFFFFFFF  }
0xbc: {  	[dreg:$0x0] =	wrdreg $0x60  }
0xbd: {  	[dreg:$0x2] =	wrdreg s24  }
0xbe: {  	[dreg:$0x3] =	wrdreg $0x88000  }
0xbf: {  	[dreg:$0x4] =	wrdreg $0xA  }
0xc0: {  	_ =	task.clear_ibuf [dreg:s22], $0x5FFFF;
	_ =	strace $0x9000004F  }
0xc1: {  	s29 =	simm.s32 $0xA;
	_ =	strace $0x80000051  }
0xc2: {  	_ =	swait.ge [sflag:s29], $0x1  }
0xc3: {  	[sflag:s29] =	ssyncadd.s32 $0xFFFFFFFF  }
0xc4: {  	_ =	strace $0x90000051  }
0xc5: {  	_ =	sfence  }
0xc6: {  	s30 =	sld [smem:$0x0];
	_ =	sdelay $0x2  }
0xc7: {  	s31 =	sshll.u32 s1, $0xD;
	s1 =	sshrl.u32 s1, $0x2  }
0xc8: {  	s4 =	sand.u32 $0x4000, s31;
	s1 =	sadd.s32 s1, s30  }
0xc9: {  	s0 =	sor.u32 s4, s0;
	s1 =	sshll.u32 s1, $0x11  }
0xca: {  	s0 =	sor.u32 s1, s0  }
0xcb: {  	s0 =	sadd.s32 $0x8F2B, s0  }
0xcc: {  	[sflag:s0] =	ssyncadd.remote.s32 $0x1  }
0xcd: {  	_ =	sfence.sel $0xFFFF  }
0xce: {  	[dreg:$0x0] =	wrdreg $0xFFFFFFFF;
	(pc) =	sbr.abs _section_cstart, $3  }
0xcf: {  	[dreg:$0x1] =	wrdreg $0xFFFFFFFF  }
0xd0: {  	_ =	task.clear_ibuf [dreg:s22], $0x2FFFF;
	_ =	strace $0x9FFFFFFF  }
0xd1: {  	(tm) =	ssettm $0x7FFFFFFF  }
tec
execute0_lowered:
.L_overlay_start_1:
0x0: {  	(tag) =	ssettag $0x1  }
0x1: {  	s0 =	rddreg [dreg:$0x0]  }
0x2: {  	s1 =	rddreg [dreg:$0x1];
	s2 =	srdreg.scid;
	s3 =	simm.s32 $0x0  }
0x3: {  	s12 =	stileid.u32;
	s13 =	simm.s32 $0xA;
	s14 =	simm.s32 $0x40  }
0x4: {  	s15 =	simm.s32 $0x800;
	s17 =	simm.s32 $0x2800;
	s6 =	smul.u32 $0x14000, s12  }
0x5: {  	s28 =	simm.s32 $0x300;
	s29 =	simm.s32 $0x4;
	s7 =	smul.u32 $0x50000, s12  }
0x6: {  	s30 =	simm.s32 $0x380;
	s31 =	simm.s32 $0x5;
	s9 =	smul.u32 $0x2800, s12  }
0x7: {  	s2 =	sand.u32 $0x1, s2;
	[smem:$0x7FF] =	sst s3;
	s11 =	smul.u32 $0x13C00, s12  }
0x8: {  	s4 =	sadd.s32 $0x79800, s0;
	s8 =	sadd.s32 $0x2A800, s0;
	s5 =	smul.u32 $0x140000, s2  }
0x9: {  	s22 =	sshll.u32 s12, $0x6;
	_ =	strace $0x80000050;
	s19 =	smul.u32 $0x28000, s2  }
0xa: {  	s20 =	ssub.s32 $0x2, s2;
	s2 =	smul.u32 $0x13C000, s2;
	s7 =	sshrl.u32 s7, $0x2  }
0xb: {  	s10 =	sshrl.u32 s20, $0x1;
	s5 =	sadd.s32 s6, s5;
	s21 =	sadd.s32 s7, s1  }
0xc: {  	s6 =	sadd.s32 s9, s19;
	s2 =	sadd.s32 s11, s2;
	s11 =	simm.s32 $0x100  }
0xd: {  	s19 =	simm.s32 $0x4800;
	s9 =	simm.s32 $0x0;
	s5 =	sshrl.u32 s5, $0x3  }
0xe: {  	s6 =	sadd.s32 s4, s6;
	s23 =	sshrl.u32 s2, $0x3;
	s2 =	sadd.s32 $0x800, s2  }
0xf: {  	s12 =	sshrl.u32 s21, $0x3;
	s21 =	simm.s32 $0x6800;
	s0 =	sadd.s32 s5, s0  }
0x10: {  	s5 =	ssub.s32 s20, s10;
	[dreg:$0x3] =	wrdreg s6;
	s6 =	sor.u32 $0x1C0A, s22  }
0x11: {  	s7 =	sadd.s32 s8, s23;
	s24 =	sshrl.u32 s2, $0x3;
	s10 =	simm.s32 $0x80  }
0x12: {  	s20 =	simm.s32 $0x180;
	s22 =	simm.s32 $0x1;
	s23 =	simm.s32 $0x200  }
0x13: {  	s2 =	simm.s32 $0x7;
	s0 =	sadd.s32 $0xC9800, s0;
	[dreg:$0x4] =	wrdreg s7  }
0x14: {  	s25 =	smax.u32 s5, $0x1;
	s26 =	sadd.s32 $0x80, s7;
	[dreg:$0x5] =	wrdreg s0  }
0x15: {  	s16 =	sadd.s32 s24, s8;
	s24 =	simm.s32 $0x2;
	[dreg:$0x6] =	wrdreg s25  }
0x16: {  	s5 =	simm.s32 $0x8;
	s8 =	simm.s32 $0x9;
	[dreg:$0x7] =	wrdreg s26  }
0x17: {  	s25 =	simm.s32 $0x280;
	s26 =	simm.s32 $0x3;
	s0 =	simm.s32 $0x6  }
.LBB2_1:
0x18: {  	s7 =	rddreg [dreg:$0x3]  }
0x19: {  	[spmem:s12], [sflag:s6] =	dma.local [hbm:s7], $0x2800  }
0x1a: {  	_ =	swait.ge [sflag:s13], $0x2800  }
0x1b: {  	[sflag:s13] =	ssyncset.done $0x0  }
0x1c: {  	[sflag:s13] =	ssyncadd.s32 $0xFFFFD800  }
0x1d: {  	[bflag:$0x0] =	sbarrier.arrive $0xFFFF  }
0x1e: {  	s18 =	rddreg [dreg:$0x4]  }
0x1f: {  	[tilespmem:s3], [sflag:$0xA] =	stream.linear.gather [hbm4b:s18+s3], $0x400, $0x38;
	[tilespmem:$0x1C800] =	vst v63  }
0x20: {  	_ =	swait.ge [sflag:s13], $0x400  }
0x21: {  	[sflag:s13] =	ssyncset.done $0x0  }
0x22: {  	[sflag:s13] =	ssyncadd.s32 $0xFFFFFC00  }
0x23: {  	[tilespmem:s15], [sflag:$0x1] =	stream.indirect.gather [hbm4b:s4+s14], $0x80, s3, s14, $0xb8;
	[tilespmem:$0x1C800] =	vst v63  }
0x24: {  	_ = 	snop  }
0x25: {  	[tilespmem:s17], [sflag:$0x2] =	stream.indirect.gather [hbm4b:s4+s14], $0x80, s10, s14, $0xb8;
	[tilespmem:$0x1C800] =	vst v63  }
0x26: {  	_ = 	snop  }
0x27: {  	[tilespmem:s19], [sflag:$0x3] =	stream.indirect.gather [hbm4b:s4+s14], $0x80, s11, s14, $0xb8;
	[tilespmem:$0x1C800] =	vst v63  }
0x28: {  	_ = 	snop  }
0x29: {  	[tilespmem:s21], [sflag:$0x4] =	stream.indirect.gather [hbm4b:s4+s14], $0x80, s20, s14, $0xb8;
	[tilespmem:$0x1C800] =	vst v63  }
0x2a: {  	s18 =	simm.s32 $0x400;
	s11 =	rddreg [dreg:$0x7]  }
0x2b: {  	[tilespmem:s18], [sflag:$0x9] =	stream.linear.gather [hbm4b:s11+s3], $0x400, $0x38;
	[tilespmem:$0x1C800] =	vst v63  }
0x2c: {  	_ =	swait.ge [sflag:s22], $0x2000  }
0x2d: {  	[sflag:s22] =	ssyncset.done $0x0  }
0x2e: {  	[sflag:s22] =	ssyncadd.s32 $0xFFFFE000  }
0x2f: {  	[spmem:s1] =	stream.indirect.scatter.add.f32 [tilespmem:s15], [sflag:$0x5], $0x80, s23, s14, $0xb8;
	[tilespmem:$0x1C800] =	vst v63  }
0x30: {  	_ =	swait.ge [sflag:s24], $0x2000  }
0x31: {  	[sflag:s24] =	ssyncset.done $0x0  }
0x32: {  	[sflag:s24] =	ssyncadd.s32 $0xFFFFE000  }
0x33: {  	[spmem:s1] =	stream.indirect.scatter.add.f32 [tilespmem:s17], [sflag:$0x6], $0x80, s25, s14, $0xb8;
	[tilespmem:$0x1C800] =	vst v63  }
0x34: {  	_ =	swait.ge [sflag:s26], $0x2000  }
0x35: {  	[sflag:s26] =	ssyncset.done $0x0  }
0x36: {  	[sflag:s26] =	ssyncadd.s32 $0xFFFFE000  }
0x37: {  	[spmem:s1] =	stream.indirect.scatter.add.f32 [tilespmem:s19], [sflag:$0x7], $0x80, s28, s14, $0xb8;
	[tilespmem:$0x1C800] =	vst v63  }
0x38: {  	_ =	swait.ge [sflag:s29], $0x2000  }
0x39: {  	[sflag:s29] =	ssyncset.done $0x0  }
0x3a: {  	[sflag:s29] =	ssyncadd.s32 $0xFFFFE000  }
0x3b: {  	[spmem:s1] =	stream.indirect.scatter.add.f32 [tilespmem:s21], [sflag:$0x8], $0x80, s30, s14, $0xb8;
	[tilespmem:$0x1C800] =	vst v63  }
0x3c: {  	_ =	swait.ge [sflag:s31], $0x2000  }
0x3d: {  	[sflag:s31] =	ssyncset.done $0x0  }
0x3e: {  	[sflag:s31] =	ssyncadd.s32 $0xFFFFE000  }
0x3f: {  	_ =	swait.ge [sflag:s0], $0x2000  }
0x40: {  	[sflag:s0] =	ssyncset.done $0x0  }
0x41: {  	[sflag:s0] =	ssyncadd.s32 $0xFFFFE000  }
0x42: {  	_ =	swait.ge [sflag:s2], $0x2000  }
0x43: {  	[sflag:s2] =	ssyncset.done $0x0  }
0x44: {  	[sflag:s2] =	ssyncadd.s32 $0xFFFFE000  }
0x45: {  	_ =	swait.ge [sflag:s5], $0x2000  }
0x46: {  	[sflag:s5] =	ssyncset.done $0x0  }
0x47: {  	[sflag:s5] =	ssyncadd.s32 $0xFFFFE000  }
0x48: {  	_ =	swait.ge [sflag:s8], $0x400  }
0x49: {  	[sflag:s8] =	ssyncset.done $0x0  }
0x4a: {  	s10 =	sand.u32 $0x400, s18;
	[sflag:s8] =	ssyncadd.s32 $0xFFFFFC00  }
0x4b: {  	[tilespmem:s15], [sflag:$0x1] =	stream.indirect.gather [hbm4b:s4+s14], $0x80, s10, s14, $0xb8;
	[tilespmem:$0x1C800] =	vst v63  }
0x4c: {  	s18 =	sor.u32 $0x80, s10  }
0x4d: {  	[tilespmem:s17], [sflag:$0x2] =	stream.indirect.gather [hbm4b:s4+s14], $0x80, s18, s14, $0xb8;
	[tilespmem:$0x1C800] =	vst v63  }
0x4e: {  	s7 =	sor.u32 $0x100, s10  }
0x4f: {  	[tilespmem:s19], [sflag:$0x3] =	stream.indirect.gather [hbm4b:s4+s14], $0x80, s7, s14, $0xb8;
	[tilespmem:$0x1C800] =	vst v63  }
0x50: {  	s18 =	sor.u32 $0x180, s10  }
0x51: {  	[tilespmem:s21], [sflag:$0x4] =	stream.indirect.gather [hbm4b:s4+s14], $0x80, s18, s14, $0xb8;
	[tilespmem:$0x1C800] =	vst v63  }
0x52: {  	s7 =	sxor.u32 $0x400, s10  }
0x53: {  	[tilespmem:s7], [sflag:$0x9] =	stream.linear.gather [hbm4b:s16+s3], $0x400, $0x38;
	[tilespmem:$0x1C800] =	vst v63  }
0x54: {  	_ =	swait.ge [sflag:s22], $0x2000  }
0x55: {  	[sflag:s22] =	ssyncset.done $0x0  }
0x56: {  	s18 =	sor.u32 $0x200, s10;
	[sflag:s22] =	ssyncadd.s32 $0xFFFFE000  }
0x57: {  	[spmem:s1] =	stream.indirect.scatter.add.f32 [tilespmem:s15], [sflag:$0x5], $0x80, s18, s14, $0xb8;
	[tilespmem:$0x1C800] =	vst v63  }
0x58: {  	_ =	swait.ge [sflag:s24], $0x2000  }
0x59: {  	[sflag:s24] =	ssyncset.done $0x0  }
0x5a: {  	s7 =	sor.u32 $0x280, s10;
	[sflag:s24] =	ssyncadd.s32 $0xFFFFE000  }
0x5b: {  	[spmem:s1] =	stream.indirect.scatter.add.f32 [tilespmem:s17], [sflag:$0x6], $0x80, s7, s14, $0xb8;
	[tilespmem:$0x1C800] =	vst v63  }
0x5c: {  	_ =	swait.ge [sflag:s26], $0x2000  }
0x5d: {  	[sflag:s26] =	ssyncset.done $0x0  }
0x5e: {  	s18 =	sor.u32 $0x300, s10;
	[sflag:s26] =	ssyncadd.s32 $0xFFFFE000  }
0x5f: {  	[spmem:s1] =	stream.indirect.scatter.add.f32 [tilespmem:s19], [sflag:$0x7], $0x80, s18, s14, $0xb8;
	[tilespmem:$0x1C800] =	vst v63  }
0x60: {  	_ =	swait.ge [sflag:s29], $0x2000  }
0x61: {  	[sflag:s29] =	ssyncset.done $0x0  }
0x62: {  	s10 =	sor.u32 $0x380, s10;
	[sflag:s29] =	ssyncadd.s32 $0xFFFFE000  }
0x63: {  	[spmem:s1] =	stream.indirect.scatter.add.f32 [tilespmem:s21], [sflag:$0x8], $0x80, s10, s14, $0xb8;
	[tilespmem:$0x1C800] =	vst v63  }
0x64: {  	_ =	swait.ge [sflag:s31], $0x2000  }
0x65: {  	[sflag:s31] =	ssyncset.done $0x0  }
0x66: {  	[sflag:s31] =	ssyncadd.s32 $0xFFFFE000  }
0x67: {  	_ =	swait.ge [sflag:s0], $0x2000  }
0x68: {  	[sflag:s0] =	ssyncset.done $0x0  }
0x69: {  	[sflag:s0] =	ssyncadd.s32 $0xFFFFE000  }
0x6a: {  	_ =	swait.ge [sflag:s2], $0x2000  }
0x6b: {  	[sflag:s2] =	ssyncset.done $0x0  }
0x6c: {  	[sflag:s2] =	ssyncadd.s32 $0xFFFFE000  }
0x6d: {  	_ =	swait.ge [sflag:s5], $0x2000  }
0x6e: {  	s11 =	smov.u32 s16;
	s10 =	simm.s32 $0x800;
	[sflag:s5] =	ssyncset.done $0x0  }
.LBB2_2:
0x6f: {  	p0 =	sne.s32 s10, $0x13400;
	[sflag:s5] =	ssyncadd.s32 $0xFFFFE000;
	s11 =	sadd.s32 $0x80, s11  }
0x70: {  	s18 =	smov.u32 s10;
	s10 =	sadd.s32 $0x400, s10;
	_ =	swait.ge [sflag:s8], $0x400  }
0x71: {  	[sflag:s8] =	ssyncset.done $0x0  }
0x72: {  	s18 =	sand.u32 $0x400, s18;
	[sflag:s8] =	ssyncadd.s32 $0xFFFFFC00  }
0x73: {  	[tilespmem:s15], [sflag:$0x1] =	stream.indirect.gather [hbm4b:s4+s14], $0x80, s18, s14, $0xb8;
	[tilespmem:$0x1C800] =	vst v63  }
0x74: {  	s7 =	sor.u32 $0x80, s18  }
0x75: {  	[tilespmem:s17], [sflag:$0x2] =	stream.indirect.gather [hbm4b:s4+s14], $0x80, s7, s14, $0xb8;
	[tilespmem:$0x1C800] =	vst v63  }
0x76: {  	s7 =	sor.u32 $0x100, s18  }
0x77: {  	[tilespmem:s19], [sflag:$0x3] =	stream.indirect.gather [hbm4b:s4+s14], $0x80, s7, s14, $0xb8;
	[tilespmem:$0x1C800] =	vst v63  }
0x78: {  	s7 =	sor.u32 $0x180, s18  }
0x79: {  	[tilespmem:s21], [sflag:$0x4] =	stream.indirect.gather [hbm4b:s4+s14], $0x80, s7, s14, $0xb8;
	[tilespmem:$0x1C800] =	vst v63  }
0x7a: {  	s7 =	sxor.u32 $0x400, s18  }
0x7b: {  	[tilespmem:s7], [sflag:$0x9] =	stream.linear.gather [hbm4b:s11+s3], $0x400, $0x38;
	[tilespmem:$0x1C800] =	vst v63  }
0x7c: {  	_ =	swait.ge [sflag:s22], $0x2000  }
0x7d: {  	[sflag:s22] =	ssyncset.done $0x0  }
0x7e: {  	s7 =	sor.u32 $0x200, s18;
	[sflag:s22] =	ssyncadd.s32 $0xFFFFE000  }
0x7f: {  	[spmem:s1] =	stream.indirect.scatter.add.f32 [tilespmem:s15], [sflag:$0x5], $0x80, s7, s14, $0xb8;
	[tilespmem:$0x1C800] =	vst v63  }
0x80: {  	_ =	swait.ge [sflag:s24], $0x2000  }
0x81: {  	[sflag:s24] =	ssyncset.done $0x0  }
0x82: {  	s7 =	sor.u32 $0x280, s18;
	[sflag:s24] =	ssyncadd.s32 $0xFFFFE000  }
0x83: {  	[spmem:s1] =	stream.indirect.scatter.add.f32 [tilespmem:s17], [sflag:$0x6], $0x80, s7, s14, $0xb8;
	[tilespmem:$0x1C800] =	vst v63  }
0x84: {  	_ =	swait.ge [sflag:s26], $0x2000  }
0x85: {  	[sflag:s26] =	ssyncset.done $0x0  }
0x86: {  	s7 =	sor.u32 $0x300, s18;
	[sflag:s26] =	ssyncadd.s32 $0xFFFFE000  }
0x87: {  	[spmem:s1] =	stream.indirect.scatter.add.f32 [tilespmem:s19], [sflag:$0x7], $0x80, s7, s14, $0xb8;
	[tilespmem:$0x1C800] =	vst v63  }
0x88: {  	_ =	swait.ge [sflag:s29], $0x2000  }
0x89: {  	[sflag:s29] =	ssyncset.done $0x0  }
0x8a: {  	s7 =	sor.u32 $0x380, s18;
	[sflag:s29] =	ssyncadd.s32 $0xFFFFE000  }
0x8b: {  	[spmem:s1] =	stream.indirect.scatter.add.f32 [tilespmem:s21], [sflag:$0x8], $0x80, s7, s14, $0xb8;
	[tilespmem:$0x1C800] =	vst v63  }
0x8c: {  	_ =	swait.ge [sflag:s31], $0x2000  }
0x8d: {  	[sflag:s31] =	ssyncset.done $0x0  }
0x8e: {  	[sflag:s31] =	ssyncadd.s32 $0xFFFFE000  }
0x8f: {  	_ =	swait.ge [sflag:s0], $0x2000  }
0x90: {  	[sflag:s0] =	ssyncset.done $0x0  }
0x91: {  	[sflag:s0] =	ssyncadd.s32 $0xFFFFE000  }
.Ltmp0:
0x92: {  	_ =	swait.ge [sflag:s2], $0x2000;
	(pc) =	sbr.rel @p0 .LBB2_2-.Ltmp0, $4  }
0x93: {  	[sflag:s2] =	ssyncset.done $0x0  }
0x94: {  	[sflag:s2] =	ssyncadd.s32 $0xFFFFE000  }
0x95: {  	_ =	swait.ge [sflag:s5], $0x2000  }
0x96: {  	[sflag:s5] =	ssyncset.done $0x0  }
0x97: {  	[sflag:s5] =	ssyncadd.s32 $0xFFFFE000  }
0x98: {  	_ =	swait.ge [sflag:s8], $0x400  }
0x99: {  	[sflag:s8] =	ssyncset.done $0x0  }
0x9a: {  	[sflag:s8] =	ssyncadd.s32 $0xFFFFFC00  }
0x9b: {  	[tilespmem:s15], [sflag:$0x1] =	stream.indirect.gather [hbm4b:s4+s14], $0x80, s3, s14, $0xb8;
	[tilespmem:$0x1C800] =	vst v63  }
0x9c: {  	s10 =	simm.s32 $0x80  }
0x9d: {  	[tilespmem:s17], [sflag:$0x2] =	stream.indirect.gather [hbm4b:s4+s14], $0x80, s10, s14, $0xb8;
	[tilespmem:$0x1C800] =	vst v63  }
0x9e: {  	s11 =	simm.s32 $0x100  }
0x9f: {  	[tilespmem:s19], [sflag:$0x3] =	stream.indirect.gather [hbm4b:s4+s14], $0x80, s11, s14, $0xb8;
	[tilespmem:$0x1C800] =	vst v63  }
0xa0: {  	_ = 	snop  }
0xa1: {  	[tilespmem:s21], [sflag:$0x4] =	stream.indirect.gather [hbm4b:s4+s14], $0x80, s20, s14, $0xb8;
	[tilespmem:$0x1C800] =	vst v63  }
0xa2: {  	_ =	swait.ge [sflag:s22], $0x2000  }
0xa3: {  	[sflag:s22] =	ssyncset.done $0x0  }
0xa4: {  	[sflag:s22] =	ssyncadd.s32 $0xFFFFE000  }
0xa5: {  	[spmem:s1] =	stream.indirect.scatter.add.f32 [tilespmem:s15], [sflag:$0x5], $0x80, s23, s14, $0xb8;
	[tilespmem:$0x1C800] =	vst v63  }
0xa6: {  	_ =	swait.ge [sflag:s24], $0x2000  }
0xa7: {  	[sflag:s24] =	ssyncset.done $0x0  }
0xa8: {  	[sflag:s24] =	ssyncadd.s32 $0xFFFFE000  }
0xa9: {  	[spmem:s1] =	stream.indirect.scatter.add.f32 [tilespmem:s17], [sflag:$0x6], $0x80, s25, s14, $0xb8;
	[tilespmem:$0x1C800] =	vst v63  }
0xaa: {  	_ =	swait.ge [sflag:s26], $0x2000  }
0xab: {  	[sflag:s26] =	ssyncset.done $0x0  }
0xac: {  	[sflag:s26] =	ssyncadd.s32 $0xFFFFE000  }
0xad: {  	[spmem:s1] =	stream.indirect.scatter.add.f32 [tilespmem:s19], [sflag:$0x7], $0x80, s28, s14, $0xb8;
	[tilespmem:$0x1C800] =	vst v63  }
0xae: {  	_ =	swait.ge [sflag:s29], $0x2000  }
0xaf: {  	[sflag:s29] =	ssyncset.done $0x0  }
0xb0: {  	[sflag:s29] =	ssyncadd.s32 $0xFFFFE000  }
0xb1: {  	[spmem:s1] =	stream.indirect.scatter.add.f32 [tilespmem:s21], [sflag:$0x8], $0x80, s30, s14, $0xb8;
	[tilespmem:$0x1C800] =	vst v63  }
0xb2: {  	_ =	swait.ge [sflag:s31], $0x2000  }
0xb3: {  	[sflag:s31] =	ssyncset.done $0x0  }
0xb4: {  	[sflag:s31] =	ssyncadd.s32 $0xFFFFE000  }
0xb5: {  	_ =	swait.ge [sflag:s0], $0x2000  }
0xb6: {  	[sflag:s0] =	ssyncset.done $0x0  }
0xb7: {  	[sflag:s0] =	ssyncadd.s32 $0xFFFFE000  }
0xb8: {  	_ =	swait.ge [sflag:s2], $0x2000  }
0xb9: {  	[sflag:s2] =	ssyncset.done $0x0  }
0xba: {  	[sflag:s2] =	ssyncadd.s32 $0xFFFFE000  }
0xbb: {  	_ =	swait.ge [sflag:s5], $0x2000  }
0xbc: {  	[sflag:s5] =	ssyncset.done $0x0  }
0xbd: {  	[sflag:s5] =	ssyncadd.s32 $0xFFFFE000  }
0xbe: {  	[bflag:$0x0] =	sbarrier.arrive $0xFFFF  }
0xbf: {  	s7 =	rddreg [dreg:$0x5]  }
0xc0: {  	[hbm:s7], [sflag:s6] =	dma.local [spmem:s12], $0x2800  }
0xc1: {  	_ =	swait.ge [sflag:s13], $0x2800  }
0xc2: {  	s9 =	sadd.s32 $0x1, s9;
	s18 =	rddreg [dreg:$0x6]  }
0xc3: {  	p0 =	sne.s32 s9, s18  }
.Ltmp1:
0xc4: {  	_ = 	snop;
	(pc) =	sbr.rel @p0 .LBB2_1-.Ltmp1, $3  }
0xc5: {  	_ =	sdelay $0x1  }
0xc6: {  	[sflag:s13] =	ssyncset.done $0x0  }
0xc7: {  	[sflag:s13] =	ssyncadd.s32 $0xFFFFD800  }
0xc8: {  	_ =	sfence.sel $0x180000  }
0xc9: {  	[bflag:$0x0] =	sbarrier.arrive $0xFFFF  }
0xca: {  	_ =	strace $0x90000050  }
0xcb: {  	s0 =	stileid.u32;
	[bflag:$0x2] =	sbarrier.arrive $0xFFFF  }
0xcc: {  	p0 =	sne.s32 s0, $0x0;
	s0 =	rddreg [dreg:$0x2]  }
0xcd: {  	s0 =	sadd.s32 @!p0 $0x100000, s0  }
0xce: {  	[sflag:s0] =	ssyncadd.tile.s32 @!p0 $0x1;
	_ =	shalt  }
.Lfunc_end2:
_tile_overlayer_lowered:
.L_overlay_start_2:
0xcf: {  	(tag) =	ssettag $0x2  }
0xd0: {  	s0 =	rddreg [dreg:$0x0];
	s2 =	stileid.u32  }
0xd1: {  	s1 =	rddreg [dreg:$0x1];
	p0 =	sne.s32 s2, $0x0  }
0xd2: {  	s3 =	rddreg [dreg:$0x2];
	[bflag:$0x3] =	sbarrier.arrive $0xFFFF;
	s2 =	simm.s32 @!p0 $0x1C0A  }
0xd3: {  	[timem:s3], [sflag:s2] =	dma.local @!p0 [hbm:s0], s1  }
0xd4: {  	s0 =	simm.s32 @!p0 $0xA  }
0xd5: {  	_ =	swait.ge @!p0 [sflag:s0], s1  }
0xd6: {  	s1 =	ssub.s32 @!p0 $0x0, s1;
	[sflag:s0] =	ssyncset.done @!p0 $0x0  }
0xd7: {  	[sflag:s0] =	ssyncadd.s32 @!p0 s1  }
0xd8: {  	[bflag:$0x3] =	sbarrier.arrive $0xFFFF  }
0xd9: {  	_ =	shalt  }

</sc_bundles>
